<compile_context>
chip_gen: v7x
topology: tpu7x:2x2x1
jax: 0.10.2.dev20260603
libtpu: 0.0.44.dev20260713+nightly
codegen_flags: <defaults>
</compile_context>

<pallas_src>
import functools

import jax
import jax.numpy as jnp
from jax import lax
from jax.experimental import pallas as pl
from jax.experimental.pallas import tpu as pltpu
from jax.experimental.pallas import tpu_sc as plsc

_NDIG = 10
_LANES = 16
_GCHUNK = 128


@functools.cache
def _build(n, b, V):
    info = plsc.get_sparse_core_info()
    nc, ns = info.num_cores, info.num_subcores
    nw = nc * ns
    blk = b // nw
    assert b % nw == 0 and blk % _GCHUNK == 0
    gch = blk // _GCHUNK
    jper = _GCHUNK // _LANES

    mesh = plsc.VectorSubcoreMesh(core_axis_name="c", subcore_axis_name="s")

    @functools.partial(
        pl.kernel,
        mesh=mesh,
        compiler_params=pltpu.CompilerParams(
            needs_layout_passes=False, use_tc_tiling_on_sc=True
        ),
        out_type=jax.ShapeDtypeStruct((n, b), jnp.float32),
        scratch_types=[
            pltpu.VMEM((n, _NDIG, blk), jnp.int32),
            pltpu.VMEM((n * blk,), jnp.int32),
            pltpu.VMEM((n * blk,), jnp.float32),
            pltpu.SemaphoreType.DMA((n,)),
            pltpu.SemaphoreType.DMA,
            pltpu.SemaphoreType.DMA,
        ],
    )
    def sc_kernel(xt_hbm, vec_hbm, out_hbm, xv, idxv, outv, semx, semg, semo):
        wid = lax.axis_index("s") * nc + lax.axis_index("c")
        b0 = wid * blk
        for i in range(n):
            pltpu.make_async_copy(
                xt_hbm.at[i, :, pl.ds(b0, blk)], xv.at[i], semx.at[i]
            ).start()

        def chunk(t, carry):
            i = t // gch
            g = t % gch

            @pl.when(g == 0)
            def _wait_slab():
                pltpu.make_async_copy(
                    xt_hbm.at[i, :, pl.ds(b0, blk)], xv.at[i], semx.at[i]
                ).wait()

            base = i * blk + g * _GCHUNK
            for j in range(jper):
                c = g * _GCHUNK + j * _LANES
                d = [xv[i, k, pl.ds(c, _LANES)] for k in range(_NDIG)]
                e = [d[2 * p] + (d[2 * p + 1] << 2) for p in range(5)]
                f0 = e[0] + (e[1] << 4)
                f1 = e[2] + (e[3] << 4)
                idxv[pl.ds(base + j * _LANES, _LANES)] = (
                    f0 + (f1 << 8) + (e[4] << 16)
                )
            pltpu.make_async_copy(
                vec_hbm.at[idxv.at[pl.ds(base, _GCHUNK)]],
                outv.at[pl.ds(base, _GCHUNK)],
                semg,
            ).start()
            return carry

        lax.fori_loop(0, n * gch, chunk, 0)
        pltpu.make_async_copy(vec_hbm.at[pl.ds(0, n * blk)], outv, semg).wait()
        for i in range(n):
            pltpu.make_async_copy(
                outv.at[pl.ds(i * blk, blk)], out_hbm.at[i, pl.ds(b0, blk)], semo
            ).start()
        for i in range(n):
            pltpu.make_async_copy(
                outv.at[pl.ds(i * blk, blk)], out_hbm.at[i, pl.ds(b0, blk)], semo
            ).wait()

    return sc_kernel


def kernel(x, vec):
    n, b, n2 = x.shape
    xt = jnp.transpose(x, (0, 2, 1))
    return _build(n, b, vec.shape[0])(xt, vec)

# --- scband reference (transcript-rebuilt; emitter-appended) ---
"""Pipeline reference for scband-v-exact-41979010351314 (READ-ONLY COPY).

The authoritative reference and input builder live on the scoring server;
editing this copy changes nothing except your own understanding.
"""

import jax, jax.numpy as jnp
import numpy as np

N = 10
B = 16384

def setup_inputs(seed: int = 0) -> dict:
    key = jax.random.key(seed)
    k1, k2 = jax.random.split(key)
    # x must satisfy len(x) == x.shape[-1] == N for the module's idx computation.
    # Shape [N, B, N]: a batch of N*B base-4 digit vectors of length N.
    x = jax.random.randint(k1, (N, B, N), 0, 4, dtype=jnp.int32)
    # Learned parameter from the flax module: vec of size 4**N (~1M entries).
    vec = jax.random.normal(k2, (4 ** N,), dtype=jnp.float32)
    return {"x": x, "vec": vec}

def reference(x, vec):
    # Faithful translation of vExact.__call__:
    #   idx = x @ 4 ** arange(N); return vec[idx]
    n = x.shape[0]
    powers = 4 ** jnp.arange(n, dtype=jnp.int32)  # [N]
    idx = x @ powers                               # [N, B], values in [0, 4**N)
    return jnp.take(vec, idx, axis=0)              # gather -> [N, B]

if __name__ == "__main__":
    import jax
    _d = setup_inputs()
    print(jax.jit(kernel)(*tuple(_d.values())))

</pallas_src>

<mosaic_0001>
#map = affine_map<(d0, d1) -> (0, 0, 0)>
#map1 = affine_map<(d0, d1) -> (0)>
#map2 = affine_map<(d0, d1) -> (0, 0)>
module attributes {stable_mosaic.version = 14 : i64} {
  func.func @sc_kernel(%arg0: i32, %arg1: i32, %arg2: memref<10x10x16384xi32, #tpu.memory_space<hbm>>, %arg3: memref<1048576xf32, #tpu.memory_space<hbm>>, %arg4: memref<10x16384xf32, #tpu.memory_space<hbm>>, %arg5: memref<10x10x512xi32, #tpu.memory_space<vmem>>, %arg6: memref<5120xi32, #tpu.memory_space<vmem>>, %arg7: memref<5120xf32, #tpu.memory_space<vmem>>, %arg8: memref<10x!tpu.dma_semaphore, #tpu.memory_space<semaphore_mem>>, %arg9: memref<!tpu.dma_semaphore, #tpu.memory_space<semaphore_mem>>, %arg10: memref<!tpu.dma_semaphore, #tpu.memory_space<semaphore_mem>>) attributes {dimension_semantics = [#tpu.dimension_semantics<core_parallel>, #tpu.dimension_semantics<subcore_parallel>], iteration_bounds = array<i64: 2, 16>, scalar_prefetch = 0 : i64, scratch_operands = 6 : i64, tpu.core_type = #tpu.core_type<sc_vector_subcore>, window_params = [{transform_indices = #map}, {transform_indices = #map1}, {transform_indices = #map2}]} {
    %mul3A = arith.constant 2 : i32
    %mul3A_0 = arith.muli %arg1, %mul3A : i32
    %add3A = arith.addi %mul3A_0, %arg0 : i32
    %mul3A_1 = arith.constant 512 : i32
    %mul3A_2 = arith.muli %add3A, %mul3A_1 : i32
    %dma_start3A = arith.constant 0 : i32
    %dma_start3A_3 = arith.constant 0 : i32
    %dma_start3A_4 = arith.constant 0 : i32
    %dma_start3A_5 = arith.constant 0 : i32
    %dma_start3A_6 = arith.constant 0 : i32
    %dma_start3A_7 = tpu.memref_slice %arg5[%dma_start3A_3, %dma_start3A_5, %dma_start3A_6] : memref<10x10x512xi32, #tpu.memory_space<vmem>> -> memref<1x10x512xi32, #tpu.memory_space<vmem>>
    %dma_start3A_8 = tpu.memref_squeeze %dma_start3A_7 : memref<1x10x512xi32, #tpu.memory_space<vmem>> -> memref<10x512xi32, #tpu.memory_space<vmem>>
    %dma_start3A_9 = arith.constant 0 : i32
    %dma_start3A_10 = tpu.memref_slice %arg2[%dma_start3A, %dma_start3A_9, %mul3A_2] : memref<10x10x16384xi32, #tpu.memory_space<hbm>> -> memref<1x10x512xi32, #tpu.memory_space<hbm>>
    %dma_start3A_11 = tpu.memref_squeeze %dma_start3A_10 : memref<1x10x512xi32, #tpu.memory_space<hbm>> -> memref<10x512xi32, #tpu.memory_space<hbm>>
    %dma_start3A_12 = tpu.memref_slice %arg8[%dma_start3A_4] : memref<10x!tpu.dma_semaphore, #tpu.memory_space<semaphore_mem>> -> memref<1x!tpu.dma_semaphore, #tpu.memory_space<semaphore_mem>>
    %dma_start3A_13 = tpu.memref_squeeze %dma_start3A_12 : memref<1x!tpu.dma_semaphore, #tpu.memory_space<semaphore_mem>> -> memref<!tpu.dma_semaphore, #tpu.memory_space<semaphore_mem>>
    %dma_start3A_14 = arith.constant 0 : i32
    %dma_start3A_15 = arith.constant 0 : i32
    %dma_start3A_16 = tpu.memref_slice %arg5[%dma_start3A_3, %dma_start3A_14, %dma_start3A_15] : memref<10x10x512xi32, #tpu.memory_space<vmem>> -> memref<1x10x512xi32, #tpu.memory_space<vmem>>
    %dma_start3A_17 = tpu.memref_squeeze %dma_start3A_16 : memref<1x10x512xi32, #tpu.memory_space<vmem>> -> memref<10x512xi32, #tpu.memory_space<vmem>>
    %dma_start3A_18 = arith.constant 0 : i32
    %dma_start3A_19 = tpu.memref_slice %arg2[%dma_start3A, %dma_start3A_18, %mul3A_2] : memref<10x10x16384xi32, #tpu.memory_space<hbm>> -> memref<1x10x512xi32, #tpu.memory_space<hbm>>
    %dma_start3A_20 = tpu.memref_squeeze %dma_start3A_19 : memref<1x10x512xi32, #tpu.memory_space<hbm>> -> memref<10x512xi32, #tpu.memory_space<hbm>>
    tpu.enqueue_dma source(%dma_start3A_20 : memref<10x512xi32, #tpu.memory_space<hbm>>) target(%dma_start3A_17 : memref<10x512xi32, #tpu.memory_space<vmem>>) target_semaphore(%dma_start3A_13 : memref<!tpu.dma_semaphore, #tpu.memory_space<semaphore_mem>>)
    %dma_start3A_21 = arith.constant 1 : i32
    %dma_start3A_22 = arith.constant 1 : i32
    %dma_start3A_23 = arith.constant 1 : i32
    %dma_start3A_24 = arith.constant 0 : i32
    %dma_start3A_25 = arith.constant 0 : i32
    %dma_start3A_26 = tpu.memref_slice %arg5[%dma_start3A_22, %dma_start3A_24, %dma_start3A_25] : memref<10x10x512xi32, #tpu.memory_space<vmem>> -> memref<1x10x512xi32, #tpu.memory_space<vmem>>
    %dma_start3A_27 = tpu.memref_squeeze %dma_start3A_26 : memref<1x10x512xi32, #tpu.memory_space<vmem>> -> memref<10x512xi32, #tpu.memory_space<vmem>>
    %dma_start3A_28 = arith.constant 0 : i32
    %dma_start3A_29 = tpu.memref_slice %arg2[%dma_start3A_21, %dma_start3A_28, %mul3A_2] : memref<10x10x16384xi32, #tpu.memory_space<hbm>> -> memref<1x10x512xi32, #tpu.memory_space<hbm>>
    %dma_start3A_30 = tpu.memref_squeeze %dma_start3A_29 : memref<1x10x512xi32, #tpu.memory_space<hbm>> -> memref<10x512xi32, #tpu.memory_space<hbm>>
    %dma_start3A_31 = tpu.memref_slice %arg8[%dma_start3A_23] : memref<10x!tpu.dma_semaphore, #tpu.memory_space<semaphore_mem>> -> memref<1x!tpu.dma_semaphore, #tpu.memory_space<semaphore_mem>>
    %dma_start3A_32 = tpu.memref_squeeze %dma_start3A_31 : memref<1x!tpu.dma_semaphore, #tpu.memory_space<semaphore_mem>> -> memref<!tpu.dma_semaphore, #tpu.memory_space<semaphore_mem>>
    %dma_start3A_33 = arith.constant 0 : i32
    %dma_start3A_34 = arith.constant 0 : i32
    %dma_start3A_35 = tpu.memref_slice %arg5[%dma_start3A_22, %dma_start3A_33, %dma_start3A_34] : memref<10x10x512xi32, #tpu.memory_space<vmem>> -> memref<1x10x512xi32, #tpu.memory_space<vmem>>
    %dma_start3A_36 = tpu.memref_squeeze %dma_start3A_35 : memref<1x10x512xi32, #tpu.memory_space<vmem>> -> memref<10x512xi32, #tpu.memory_space<vmem>>
    %dma_start3A_37 = arith.constant 0 : i32
    %dma_start3A_38 = tpu.memref_slice %arg2[%dma_start3A_21, %dma_start3A_37, %mul3A_2] : memref<10x10x16384xi32, #tpu.memory_space<hbm>> -> memref<1x10x512xi32, #tpu.memory_space<hbm>>
    %dma_start3A_39 = tpu.memref_squeeze %dma_start3A_38 : memref<1x10x512xi32, #tpu.memory_space<hbm>> -> memref<10x512xi32, #tpu.memory_space<hbm>>
    tpu.enqueue_dma source(%dma_start3A_39 : memref<10x512xi32, #tpu.memory_space<hbm>>) target(%dma_start3A_36 : memref<10x512xi32, #tpu.memory_space<vmem>>) target_semaphore(%dma_start3A_32 : memref<!tpu.dma_semaphore, #tpu.memory_space<semaphore_mem>>)
    %dma_start3A_40 = arith.constant 2 : i32
    %dma_start3A_41 = arith.constant 2 : i32
    %dma_start3A_42 = arith.constant 2 : i32
    %dma_start3A_43 = arith.constant 0 : i32
    %dma_start3A_44 = arith.constant 0 : i32
    %dma_start3A_45 = tpu.memref_slice %arg5[%dma_start3A_41, %dma_start3A_43, %dma_start3A_44] : memref<10x10x512xi32, #tpu.memory_space<vmem>> -> memref<1x10x512xi32, #tpu.memory_space<vmem>>
    %dma_start3A_46 = tpu.memref_squeeze %dma_start3A_45 : memref<1x10x512xi32, #tpu.memory_space<vmem>> -> memref<10x512xi32, #tpu.memory_space<vmem>>
    %dma_start3A_47 = arith.constant 0 : i32
    %dma_start3A_48 = tpu.memref_slice %arg2[%dma_start3A_40, %dma_start3A_47, %mul3A_2] : memref<10x10x16384xi32, #tpu.memory_space<hbm>> -> memref<1x10x512xi32, #tpu.memory_space<hbm>>
    %dma_start3A_49 = tpu.memref_squeeze %dma_start3A_48 : memref<1x10x512xi32, #tpu.memory_space<hbm>> -> memref<10x512xi32, #tpu.memory_space<hbm>>
    %dma_start3A_50 = tpu.memref_slice %arg8[%dma_start3A_42] : memref<10x!tpu.dma_semaphore, #tpu.memory_space<semaphore_mem>> -> memref<1x!tpu.dma_semaphore, #tpu.memory_space<semaphore_mem>>
    %dma_start3A_51 = tpu.memref_squeeze %dma_start3A_50 : memref<1x!tpu.dma_semaphore, #tpu.memory_space<semaphore_mem>> -> memref<!tpu.dma_semaphore, #tpu.memory_space<semaphore_mem>>
    %dma_start3A_52 = arith.constant 0 : i32
    %dma_start3A_53 = arith.constant 0 : i32
    %dma_start3A_54 = tpu.memref_slice %arg5[%dma_start3A_41, %dma_start3A_52, %dma_start3A_53] : memref<10x10x512xi32, #tpu.memory_space<vmem>> -> memref<1x10x512xi32, #tpu.memory_space<vmem>>
    %dma_start3A_55 = tpu.memref_squeeze %dma_start3A_54 : memref<1x10x512xi32, #tpu.memory_space<vmem>> -> memref<10x512xi32, #tpu.memory_space<vmem>>
    %dma_start3A_56 = arith.constant 0 : i32
    %dma_start3A_57 = tpu.memref_slice %arg2[%dma_start3A_40, %dma_start3A_56, %mul3A_2] : memref<10x10x16384xi32, #tpu.memory_space<hbm>> -> memref<1x10x512xi32, #tpu.memory_space<hbm>>
    %dma_start3A_58 = tpu.memref_squeeze %dma_start3A_57 : memref<1x10x512xi32, #tpu.memory_space<hbm>> -> memref<10x512xi32, #tpu.memory_space<hbm>>
    tpu.enqueue_dma source(%dma_start3A_58 : memref<10x512xi32, #tpu.memory_space<hbm>>) target(%dma_start3A_55 : memref<10x512xi32, #tpu.memory_space<vmem>>) target_semaphore(%dma_start3A_51 : memref<!tpu.dma_semaphore, #tpu.memory_space<semaphore_mem>>)
    %dma_start3A_59 = arith.constant 3 : i32
    %dma_start3A_60 = arith.constant 3 : i32
    %dma_start3A_61 = arith.constant 3 : i32
    %dma_start3A_62 = arith.constant 0 : i32
    %dma_start3A_63 = arith.constant 0 : i32
    %dma_start3A_64 = tpu.memref_slice %arg5[%dma_start3A_60, %dma_start3A_62, %dma_start3A_63] : memref<10x10x512xi32, #tpu.memory_space<vmem>> -> memref<1x10x512xi32, #tpu.memory_space<vmem>>
    %dma_start3A_65 = tpu.memref_squeeze %dma_start3A_64 : memref<1x10x512xi32, #tpu.memory_space<vmem>> -> memref<10x512xi32, #tpu.memory_space<vmem>>
    %dma_start3A_66 = arith.constant 0 : i32
    %dma_start3A_67 = tpu.memref_slice %arg2[%dma_start3A_59, %dma_start3A_66, %mul3A_2] : memref<10x10x16384xi32, #tpu.memory_space<hbm>> -> memref<1x10x512xi32, #tpu.memory_space<hbm>>
    %dma_start3A_68 = tpu.memref_squeeze %dma_start3A_67 : memref<1x10x512xi32, #tpu.memory_space<hbm>> -> memref<10x512xi32, #tpu.memory_space<hbm>>
    %dma_start3A_69 = tpu.memref_slice %arg8[%dma_start3A_61] : memref<10x!tpu.dma_semaphore, #tpu.memory_space<semaphore_mem>> -> memref<1x!tpu.dma_semaphore, #tpu.memory_space<semaphore_mem>>
    %dma_start3A_70 = tpu.memref_squeeze %dma_start3A_69 : memref<1x!tpu.dma_semaphore, #tpu.memory_space<semaphore_mem>> -> memref<!tpu.dma_semaphore, #tpu.memory_space<semaphore_mem>>
    %dma_start3A_71 = arith.constant 0 : i32
    %dma_start3A_72 = arith.constant 0 : i32
    %dma_start3A_73 = tpu.memref_slice %arg5[%dma_start3A_60, %dma_start3A_71, %dma_start3A_72] : memref<10x10x512xi32, #tpu.memory_space<vmem>> -> memref<1x10x512xi32, #tpu.memory_space<vmem>>
    %dma_start3A_74 = tpu.memref_squeeze %dma_start3A_73 : memref<1x10x512xi32, #tpu.memory_space<vmem>> -> memref<10x512xi32, #tpu.memory_space<vmem>>
    %dma_start3A_75 = arith.constant 0 : i32
    %dma_start3A_76 = tpu.memref_slice %arg2[%dma_start3A_59, %dma_start3A_75, %mul3A_2] : memref<10x10x16384xi32, #tpu.memory_space<hbm>> -> memref<1x10x512xi32, #tpu.memory_space<hbm>>
    %dma_start3A_77 = tpu.memref_squeeze %dma_start3A_76 : memref<1x10x512xi32, #tpu.memory_space<hbm>> -> memref<10x512xi32, #tpu.memory_space<hbm>>
    tpu.enqueue_dma source(%dma_start3A_77 : memref<10x512xi32, #tpu.memory_space<hbm>>) target(%dma_start3A_74 : memref<10x512xi32, #tpu.memory_space<vmem>>) target_semaphore(%dma_start3A_70 : memref<!tpu.dma_semaphore, #tpu.memory_space<semaphore_mem>>)
    %dma_start3A_78 = arith.constant 4 : i32
    %dma_start3A_79 = arith.constant 4 : i32
    %dma_start3A_80 = arith.constant 4 : i32
    %dma_start3A_81 = arith.constant 0 : i32
    %dma_start3A_82 = arith.constant 0 : i32
    %dma_start3A_83 = tpu.memref_slice %arg5[%dma_start3A_79, %dma_start3A_81, %dma_start3A_82] : memref<10x10x512xi32, #tpu.memory_space<vmem>> -> memref<1x10x512xi32, #tpu.memory_space<vmem>>
    %dma_start3A_84 = tpu.memref_squeeze %dma_start3A_83 : memref<1x10x512xi32, #tpu.memory_space<vmem>> -> memref<10x512xi32, #tpu.memory_space<vmem>>
    %dma_start3A_85 = arith.constant 0 : i32
    %dma_start3A_86 = tpu.memref_slice %arg2[%dma_start3A_78, %dma_start3A_85, %mul3A_2] : memref<10x10x16384xi32, #tpu.memory_space<hbm>> -> memref<1x10x512xi32, #tpu.memory_space<hbm>>
    %dma_start3A_87 = tpu.memref_squeeze %dma_start3A_86 : memref<1x10x512xi32, #tpu.memory_space<hbm>> -> memref<10x512xi32, #tpu.memory_space<hbm>>
    %dma_start3A_88 = tpu.memref_slice %arg8[%dma_start3A_80] : memref<10x!tpu.dma_semaphore, #tpu.memory_space<semaphore_mem>> -> memref<1x!tpu.dma_semaphore, #tpu.memory_space<semaphore_mem>>
    %dma_start3A_89 = tpu.memref_squeeze %dma_start3A_88 : memref<1x!tpu.dma_semaphore, #tpu.memory_space<semaphore_mem>> -> memref<!tpu.dma_semaphore, #tpu.memory_space<semaphore_mem>>
    %dma_start3A_90 = arith.constant 0 : i32
    %dma_start3A_91 = arith.constant 0 : i32
    %dma_start3A_92 = tpu.memref_slice %arg5[%dma_start3A_79, %dma_start3A_90, %dma_start3A_91] : memref<10x10x512xi32, #tpu.memory_space<vmem>> -> memref<1x10x512xi32, #tpu.memory_space<vmem>>
    %dma_start3A_93 = tpu.memref_squeeze %dma_start3A_92 : memref<1x10x512xi32, #tpu.memory_space<vmem>> -> memref<10x512xi32, #tpu.memory_space<vmem>>
    %dma_start3A_94 = arith.constant 0 : i32
    %dma_start3A_95 = tpu.memref_slice %arg2[%dma_start3A_78, %dma_start3A_94, %mul3A_2] : memref<10x10x16384xi32, #tpu.memory_space<hbm>> -> memref<1x10x512xi32, #tpu.memory_space<hbm>>
    %dma_start3A_96 = tpu.memref_squeeze %dma_start3A_95 : memref<1x10x512xi32, #tpu.memory_space<hbm>> -> memref<10x512xi32, #tpu.memory_space<hbm>>
    tpu.enqueue_dma source(%dma_start3A_96 : memref<10x512xi32, #tpu.memory_space<hbm>>) target(%dma_start3A_93 : memref<10x512xi32, #tpu.memory_space<vmem>>) target_semaphore(%dma_start3A_89 : memref<!tpu.dma_semaphore, #tpu.memory_space<semaphore_mem>>)
    %dma_start3A_97 = arith.constant 5 : i32
    %dma_start3A_98 = arith.constant 5 : i32
    %dma_start3A_99 = arith.constant 5 : i32
    %dma_start3A_100 = arith.constant 0 : i32
    %dma_start3A_101 = arith.constant 0 : i32
    %dma_start3A_102 = tpu.memref_slice %arg5[%dma_start3A_98, %dma_start3A_100, %dma_start3A_101] : memref<10x10x512xi32, #tpu.memory_space<vmem>> -> memref<1x10x512xi32, #tpu.memory_space<vmem>>
    %dma_start3A_103 = tpu.memref_squeeze %dma_start3A_102 : memref<1x10x512xi32, #tpu.memory_space<vmem>> -> memref<10x512xi32, #tpu.memory_space<vmem>>
    %dma_start3A_104 = arith.constant 0 : i32
    %dma_start3A_105 = tpu.memref_slice %arg2[%dma_start3A_97, %dma_start3A_104, %mul3A_2] : memref<10x10x16384xi32, #tpu.memory_space<hbm>> -> memref<1x10x512xi32, #tpu.memory_space<hbm>>
    %dma_start3A_106 = tpu.memref_squeeze %dma_start3A_105 : memref<1x10x512xi32, #tpu.memory_space<hbm>> -> memref<10x512xi32, #tpu.memory_space<hbm>>
    %dma_start3A_107 = tpu.memref_slice %arg8[%dma_start3A_99] : memref<10x!tpu.dma_semaphore, #tpu.memory_space<semaphore_mem>> -> memref<1x!tpu.dma_semaphore, #tpu.memory_space<semaphore_mem>>
    %dma_start3A_108 = tpu.memref_squeeze %dma_start3A_107 : memref<1x!tpu.dma_semaphore, #tpu.memory_space<semaphore_mem>> -> memref<!tpu.dma_semaphore, #tpu.memory_space<semaphore_mem>>
    %dma_start3A_109 = arith.constant 0 : i32
    %dma_start3A_110 = arith.constant 0 : i32
    %dma_start3A_111 = tpu.memref_slice %arg5[%dma_start3A_98, %dma_start3A_109, %dma_start3A_110] : memref<10x10x512xi32, #tpu.memory_space<vmem>> -> memref<1x10x512xi32, #tpu.memory_space<vmem>>
    %dma_start3A_112 = tpu.memref_squeeze %dma_start3A_111 : memref<1x10x512xi32, #tpu.memory_space<vmem>> -> memref<10x512xi32, #tpu.memory_space<vmem>>
    %dma_start3A_113 = arith.constant 0 : i32
    %dma_start3A_114 = tpu.memref_slice %arg2[%dma_start3A_97, %dma_start3A_113, %mul3A_2] : memref<10x10x16384xi32, #tpu.memory_space<hbm>> -> memref<1x10x512xi32, #tpu.memory_space<hbm>>
    %dma_start3A_115 = tpu.memref_squeeze %dma_start3A_114 : memref<1x10x512xi32, #tpu.memory_space<hbm>> -> memref<10x512xi32, #tpu.memory_space<hbm>>
    tpu.enqueue_dma source(%dma_start3A_115 : memref<10x512xi32, #tpu.memory_space<hbm>>) target(%dma_start3A_112 : memref<10x512xi32, #tpu.memory_space<vmem>>) target_semaphore(%dma_start3A_108 : memref<!tpu.dma_semaphore, #tpu.memory_space<semaphore_mem>>)
    %dma_start3A_116 = arith.constant 6 : i32
    %dma_start3A_117 = arith.constant 6 : i32
    %dma_start3A_118 = arith.constant 6 : i32
    %dma_start3A_119 = arith.constant 0 : i32
    %dma_start3A_120 = arith.constant 0 : i32
    %dma_start3A_121 = tpu.memref_slice %arg5[%dma_start3A_117, %dma_start3A_119, %dma_start3A_120] : memref<10x10x512xi32, #tpu.memory_space<vmem>> -> memref<1x10x512xi32, #tpu.memory_space<vmem>>
    %dma_start3A_122 = tpu.memref_squeeze %dma_start3A_121 : memref<1x10x512xi32, #tpu.memory_space<vmem>> -> memref<10x512xi32, #tpu.memory_space<vmem>>
    %dma_start3A_123 = arith.constant 0 : i32
    %dma_start3A_124 = tpu.memref_slice %arg2[%dma_start3A_116, %dma_start3A_123, %mul3A_2] : memref<10x10x16384xi32, #tpu.memory_space<hbm>> -> memref<1x10x512xi32, #tpu.memory_space<hbm>>
    %dma_start3A_125 = tpu.memref_squeeze %dma_start3A_124 : memref<1x10x512xi32, #tpu.memory_space<hbm>> -> memref<10x512xi32, #tpu.memory_space<hbm>>
    %dma_start3A_126 = tpu.memref_slice %arg8[%dma_start3A_118] : memref<10x!tpu.dma_semaphore, #tpu.memory_space<semaphore_mem>> -> memref<1x!tpu.dma_semaphore, #tpu.memory_space<semaphore_mem>>
    %dma_start3A_127 = tpu.memref_squeeze %dma_start3A_126 : memref<1x!tpu.dma_semaphore, #tpu.memory_space<semaphore_mem>> -> memref<!tpu.dma_semaphore, #tpu.memory_space<semaphore_mem>>
    %dma_start3A_128 = arith.constant 0 : i32
    %dma_start3A_129 = arith.constant 0 : i32
    %dma_start3A_130 = tpu.memref_slice %arg5[%dma_start3A_117, %dma_start3A_128, %dma_start3A_129] : memref<10x10x512xi32, #tpu.memory_space<vmem>> -> memref<1x10x512xi32, #tpu.memory_space<vmem>>
    %dma_start3A_131 = tpu.memref_squeeze %dma_start3A_130 : memref<1x10x512xi32, #tpu.memory_space<vmem>> -> memref<10x512xi32, #tpu.memory_space<vmem>>
    %dma_start3A_132 = arith.constant 0 : i32
    %dma_start3A_133 = tpu.memref_slice %arg2[%dma_start3A_116, %dma_start3A_132, %mul3A_2] : memref<10x10x16384xi32, #tpu.memory_space<hbm>> -> memref<1x10x512xi32, #tpu.memory_space<hbm>>
    %dma_start3A_134 = tpu.memref_squeeze %dma_start3A_133 : memref<1x10x512xi32, #tpu.memory_space<hbm>> -> memref<10x512xi32, #tpu.memory_space<hbm>>
    tpu.enqueue_dma source(%dma_start3A_134 : memref<10x512xi32, #tpu.memory_space<hbm>>) target(%dma_start3A_131 : memref<10x512xi32, #tpu.memory_space<vmem>>) target_semaphore(%dma_start3A_127 : memref<!tpu.dma_semaphore, #tpu.memory_space<semaphore_mem>>)
    %dma_start3A_135 = arith.constant 7 : i32
    %dma_start3A_136 = arith.constant 7 : i32
    %dma_start3A_137 = arith.constant 7 : i32
    %dma_start3A_138 = arith.constant 0 : i32
    %dma_start3A_139 = arith.constant 0 : i32
    %dma_start3A_140 = tpu.memref_slice %arg5[%dma_start3A_136, %dma_start3A_138, %dma_start3A_139] : memref<10x10x512xi32, #tpu.memory_space<vmem>> -> memref<1x10x512xi32, #tpu.memory_space<vmem>>
    %dma_start3A_141 = tpu.memref_squeeze %dma_start3A_140 : memref<1x10x512xi32, #tpu.memory_space<vmem>> -> memref<10x512xi32, #tpu.memory_space<vmem>>
    %dma_start3A_142 = arith.constant 0 : i32
    %dma_start3A_143 = tpu.memref_slice %arg2[%dma_start3A_135, %dma_start3A_142, %mul3A_2] : memref<10x10x16384xi32, #tpu.memory_space<hbm>> -> memref<1x10x512xi32, #tpu.memory_space<hbm>>
    %dma_start3A_144 = tpu.memref_squeeze %dma_start3A_143 : memref<1x10x512xi32, #tpu.memory_space<hbm>> -> memref<10x512xi32, #tpu.memory_space<hbm>>
    %dma_start3A_145 = tpu.memref_slice %arg8[%dma_start3A_137] : memref<10x!tpu.dma_semaphore, #tpu.memory_space<semaphore_mem>> -> memref<1x!tpu.dma_semaphore, #tpu.memory_space<semaphore_mem>>
    %dma_start3A_146 = tpu.memref_squeeze %dma_start3A_145 : memref<1x!tpu.dma_semaphore, #tpu.memory_space<semaphore_mem>> -> memref<!tpu.dma_semaphore, #tpu.memory_space<semaphore_mem>>
    %dma_start3A_147 = arith.constant 0 : i32
    %dma_start3A_148 = arith.constant 0 : i32
    %dma_start3A_149 = tpu.memref_slice %arg5[%dma_start3A_136, %dma_start3A_147, %dma_start3A_148] : memref<10x10x512xi32, #tpu.memory_space<vmem>> -> memref<1x10x512xi32, #tpu.memory_space<vmem>>
    %dma_start3A_150 = tpu.memref_squeeze %dma_start3A_149 : memref<1x10x512xi32, #tpu.memory_space<vmem>> -> memref<10x512xi32, #tpu.memory_space<vmem>>
    %dma_start3A_151 = arith.constant 0 : i32
    %dma_start3A_152 = tpu.memref_slice %arg2[%dma_start3A_135, %dma_start3A_151, %mul3A_2] : memref<10x10x16384xi32, #tpu.memory_space<hbm>> -> memref<1x10x512xi32, #tpu.memory_space<hbm>>
    %dma_start3A_153 = tpu.memref_squeeze %dma_start3A_152 : memref<1x10x512xi32, #tpu.memory_space<hbm>> -> memref<10x512xi32, #tpu.memory_space<hbm>>
    tpu.enqueue_dma source(%dma_start3A_153 : memref<10x512xi32, #tpu.memory_space<hbm>>) target(%dma_start3A_150 : memref<10x512xi32, #tpu.memory_space<vmem>>) target_semaphore(%dma_start3A_146 : memref<!tpu.dma_semaphore, #tpu.memory_space<semaphore_mem>>)
    %dma_start3A_154 = arith.constant 8 : i32
    %dma_start3A_155 = arith.constant 8 : i32
    %dma_start3A_156 = arith.constant 8 : i32
    %dma_start3A_157 = arith.constant 0 : i32
    %dma_start3A_158 = arith.constant 0 : i32
    %dma_start3A_159 = tpu.memref_slice %arg5[%dma_start3A_155, %dma_start3A_157, %dma_start3A_158] : memref<10x10x512xi32, #tpu.memory_space<vmem>> -> memref<1x10x512xi32, #tpu.memory_space<vmem>>
    %dma_start3A_160 = tpu.memref_squeeze %dma_start3A_159 : memref<1x10x512xi32, #tpu.memory_space<vmem>> -> memref<10x512xi32, #tpu.memory_space<vmem>>
    %dma_start3A_161 = arith.constant 0 : i32
    %dma_start3A_162 = tpu.memref_slice %arg2[%dma_start3A_154, %dma_start3A_161, %mul3A_2] : memref<10x10x16384xi32, #tpu.memory_space<hbm>> -> memref<1x10x512xi32, #tpu.memory_space<hbm>>
    %dma_start3A_163 = tpu.memref_squeeze %dma_start3A_162 : memref<1x10x512xi32, #tpu.memory_space<hbm>> -> memref<10x512xi32, #tpu.memory_space<hbm>>
    %dma_start3A_164 = tpu.memref_slice %arg8[%dma_start3A_156] : memref<10x!tpu.dma_semaphore, #tpu.memory_space<semaphore_mem>> -> memref<1x!tpu.dma_semaphore, #tpu.memory_space<semaphore_mem>>
    %dma_start3A_165 = tpu.memref_squeeze %dma_start3A_164 : memref<1x!tpu.dma_semaphore, #tpu.memory_space<semaphore_mem>> -> memref<!tpu.dma_semaphore, #tpu.memory_space<semaphore_mem>>
    %dma_start3A_166 = arith.constant 0 : i32
    %dma_start3A_167 = arith.constant 0 : i32
    %dma_start3A_168 = tpu.memref_slice %arg5[%dma_start3A_155, %dma_start3A_166, %dma_start3A_167] : memref<10x10x512xi32, #tpu.memory_space<vmem>> -> memref<1x10x512xi32, #tpu.memory_space<vmem>>
    %dma_start3A_169 = tpu.memref_squeeze %dma_start3A_168 : memref<1x10x512xi32, #tpu.memory_space<vmem>> -> memref<10x512xi32, #tpu.memory_space<vmem>>
    %dma_start3A_170 = arith.constant 0 : i32
    %dma_start3A_171 = tpu.memref_slice %arg2[%dma_start3A_154, %dma_start3A_170, %mul3A_2] : memref<10x10x16384xi32, #tpu.memory_space<hbm>> -> memref<1x10x512xi32, #tpu.memory_space<hbm>>
    %dma_start3A_172 = tpu.memref_squeeze %dma_start3A_171 : memref<1x10x512xi32, #tpu.memory_space<hbm>> -> memref<10x512xi32, #tpu.memory_space<hbm>>
    tpu.enqueue_dma source(%dma_start3A_172 : memref<10x512xi32, #tpu.memory_space<hbm>>) target(%dma_start3A_169 : memref<10x512xi32, #tpu.memory_space<vmem>>) target_semaphore(%dma_start3A_165 : memref<!tpu.dma_semaphore, #tpu.memory_space<semaphore_mem>>)
    %dma_start3A_173 = arith.constant 9 : i32
    %dma_start3A_174 = arith.constant 9 : i32
    %dma_start3A_175 = arith.constant 9 : i32
    %dma_start3A_176 = arith.constant 0 : i32
    %dma_start3A_177 = arith.constant 0 : i32
    %dma_start3A_178 = tpu.memref_slice %arg5[%dma_start3A_174, %dma_start3A_176, %dma_start3A_177] : memref<10x10x512xi32, #tpu.memory_space<vmem>> -> memref<1x10x512xi32, #tpu.memory_space<vmem>>
    %dma_start3A_179 = tpu.memref_squeeze %dma_start3A_178 : memref<1x10x512xi32, #tpu.memory_space<vmem>> -> memref<10x512xi32, #tpu.memory_space<vmem>>
    %dma_start3A_180 = arith.constant 0 : i32
    %dma_start3A_181 = tpu.memref_slice %arg2[%dma_start3A_173, %dma_start3A_180, %mul3A_2] : memref<10x10x16384xi32, #tpu.memory_space<hbm>> -> memref<1x10x512xi32, #tpu.memory_space<hbm>>
    %dma_start3A_182 = tpu.memref_squeeze %dma_start3A_181 : memref<1x10x512xi32, #tpu.memory_space<hbm>> -> memref<10x512xi32, #tpu.memory_space<hbm>>
    %dma_start3A_183 = tpu.memref_slice %arg8[%dma_start3A_175] : memref<10x!tpu.dma_semaphore, #tpu.memory_space<semaphore_mem>> -> memref<1x!tpu.dma_semaphore, #tpu.memory_space<semaphore_mem>>
    %dma_start3A_184 = tpu.memref_squeeze %dma_start3A_183 : memref<1x!tpu.dma_semaphore, #tpu.memory_space<semaphore_mem>> -> memref<!tpu.dma_semaphore, #tpu.memory_space<semaphore_mem>>
    %dma_start3A_185 = arith.constant 0 : i32
    %dma_start3A_186 = arith.constant 0 : i32
    %dma_start3A_187 = tpu.memref_slice %arg5[%dma_start3A_174, %dma_start3A_185, %dma_start3A_186] : memref<10x10x512xi32, #tpu.memory_space<vmem>> -> memref<1x10x512xi32, #tpu.memory_space<vmem>>
    %dma_start3A_188 = tpu.memref_squeeze %dma_start3A_187 : memref<1x10x512xi32, #tpu.memory_space<vmem>> -> memref<10x512xi32, #tpu.memory_space<vmem>>
    %dma_start3A_189 = arith.constant 0 : i32
    %dma_start3A_190 = tpu.memref_slice %arg2[%dma_start3A_173, %dma_start3A_189, %mul3A_2] : memref<10x10x16384xi32, #tpu.memory_space<hbm>> -> memref<1x10x512xi32, #tpu.memory_space<hbm>>
    %dma_start3A_191 = tpu.memref_squeeze %dma_start3A_190 : memref<1x10x512xi32, #tpu.memory_space<hbm>> -> memref<10x512xi32, #tpu.memory_space<hbm>>
    tpu.enqueue_dma source(%dma_start3A_191 : memref<10x512xi32, #tpu.memory_space<hbm>>) target(%dma_start3A_188 : memref<10x512xi32, #tpu.memory_space<vmem>>) target_semaphore(%dma_start3A_184 : memref<!tpu.dma_semaphore, #tpu.memory_space<semaphore_mem>>)
    %scan3A = arith.constant 0 : i32
    %scan3A_192 = arith.constant 0 : i32
    %scan3A_193 = arith.constant 40 : i32
    %scan3A_194 = arith.addi %scan3A_192, %scan3A_193 : i32
    %scan3A_195 = arith.constant 1 : i32
    scf.for %scan3A_380 = %scan3A_192 to %scan3A_194 step %scan3A_195  : i32 {
      %jit3A = arith.constant 4 : i32
      %div3A = arith.divsi %scan3A_380, %jit3A : i32
      %sign3A = arith.constant 0 : i32
      %sign3A_381 = arith.cmpi sgt, %scan3A_380, %sign3A : i32
      %sign3A_382 = arith.extui %sign3A_381 : i1 to i32
      %sign3A_383 = arith.constant 0 : i32
      %sign3A_384 = arith.cmpi slt, %scan3A_380, %sign3A_383 : i32
      %sign3A_385 = arith.extui %sign3A_384 : i1 to i32
      %sign3A_386 = arith.subi %sign3A_382, %sign3A_385 : i32
      %sign3A_387 = arith.constant 0 : i32
      %sign3A_388 = arith.cmpi sgt, %jit3A, %sign3A_387 : i32
      %sign3A_389 = arith.extui %sign3A_388 : i1 to i32
      %sign3A_390 = arith.constant 0 : i32
      %sign3A_391 = arith.cmpi slt, %jit3A, %sign3A_390 : i32
      %sign3A_392 = arith.extui %sign3A_391 : i1 to i32
      %sign3A_393 = arith.subi %sign3A_389, %sign3A_392 : i32
      %ne3A = arith.cmpi ne, %sign3A_386, %sign3A_393 : i32
      %rem3A = arith.remsi %scan3A_380, %jit3A : i32
      %ne3A_394 = arith.constant 0 : i32
      %ne3A_395 = arith.cmpi ne, %rem3A, %ne3A_394 : i32
      %and3A = arith.andi %ne3A, %ne3A_395 : i1
      %sub3A = arith.constant 1 : i32
      %sub3A_396 = arith.subi %div3A, %sub3A : i32
      %select_n3A = arith.select %and3A, %sub3A_396, %div3A : i32
      %jit3A_397 = arith.constant 4 : i32
      %eq3A = arith.constant 0 : i32
      %eq3A_398 = arith.cmpi eq, %jit3A_397, %eq3A : i32
      %jit3A_399 = arith.constant 1 : i32
      %select_n3A_400 = arith.select %eq3A_398, %jit3A_399, %jit3A_397 : i32
      %rem3A_401 = arith.remsi %scan3A_380, %select_n3A_400 : i32
      %ne3A_402 = arith.constant 0 : i32
      %ne3A_403 = arith.cmpi ne, %rem3A_401, %ne3A_402 : i32
      %lt3A = arith.constant 0 : i32
      %lt3A_404 = arith.cmpi slt, %rem3A_401, %lt3A : i32
      %lt3A_405 = arith.constant 0 : i32
      %lt3A_406 = arith.cmpi slt, %select_n3A_400, %lt3A_405 : i32
      %ne3A_407 = arith.xori %lt3A_404, %lt3A_406 : i1
      %and3A_408 = arith.andi %ne3A_407, %ne3A_403 : i1
      %add3A_409 = arith.addi %rem3A_401, %select_n3A_400 : i32
      %select_n3A_410 = arith.select %and3A_408, %add3A_409, %rem3A_401 : i32
      %eq3A_411 = arith.constant 0 : i32
      %eq3A_412 = arith.cmpi eq, %select_n3A_410, %eq3A_411 : i32
      %convert_element_type3A = arith.extui %eq3A_412 : i1 to i32
      %cond3A = arith.constant 0 : i32
      %cond3A_413 = arith.cmpi ne, %convert_element_type3A, %cond3A : i32
      scf.if %cond3A_413 {
        %dma_wait3A_1172 = arith.constant 0 : i32
        %dma_wait3A_1173 = arith.constant 0 : i32
        %dma_wait3A_1174 = tpu.memref_slice %arg5[%select_n3A, %dma_wait3A_1172, %dma_wait3A_1173] : memref<10x10x512xi32, #tpu.memory_space<vmem>> -> memref<1x10x512xi32, #tpu.memory_space<vmem>>
        %dma_wait3A_1175 = tpu.memref_squeeze %dma_wait3A_1174 : memref<1x10x512xi32, #tpu.memory_space<vmem>> -> memref<10x512xi32, #tpu.memory_space<vmem>>
        %dma_wait3A_1176 = arith.constant 0 : i32
        %dma_wait3A_1177 = tpu.memref_slice %arg2[%select_n3A, %dma_wait3A_1176, %mul3A_2] : memref<10x10x16384xi32, #tpu.memory_space<hbm>> -> memref<1x10x512xi32, #tpu.memory_space<hbm>>
        %dma_wait3A_1178 = tpu.memref_squeeze %dma_wait3A_1177 : memref<1x10x512xi32, #tpu.memory_space<hbm>> -> memref<10x512xi32, #tpu.memory_space<hbm>>
        %dma_wait3A_1179 = tpu.memref_slice %arg8[%select_n3A] : memref<10x!tpu.dma_semaphore, #tpu.memory_space<semaphore_mem>> -> memref<1x!tpu.dma_semaphore, #tpu.memory_space<semaphore_mem>>
        %dma_wait3A_1180 = tpu.memref_squeeze %dma_wait3A_1179 : memref<1x!tpu.dma_semaphore, #tpu.memory_space<semaphore_mem>> -> memref<!tpu.dma_semaphore, #tpu.memory_space<semaphore_mem>>
        %dma_wait3A_1181 = arith.constant 0 : i32
        %dma_wait3A_1182 = arith.constant 0 : i32
        %dma_wait3A_1183 = tpu.memref_slice %arg5[%select_n3A, %dma_wait3A_1181, %dma_wait3A_1182] : memref<10x10x512xi32, #tpu.memory_space<vmem>> -> memref<1x10x512xi32, #tpu.memory_space<vmem>>
        %dma_wait3A_1184 = tpu.memref_squeeze %dma_wait3A_1183 : memref<1x10x512xi32, #tpu.memory_space<vmem>> -> memref<10x512xi32, #tpu.memory_space<vmem>>
        %dma_wait3A_1185 = arith.constant 0 : i32
        %dma_wait3A_1186 = tpu.memref_slice %arg2[%select_n3A, %dma_wait3A_1185, %mul3A_2] : memref<10x10x16384xi32, #tpu.memory_space<hbm>> -> memref<1x10x512xi32, #tpu.memory_space<hbm>>
        %dma_wait3A_1187 = tpu.memref_squeeze %dma_wait3A_1186 : memref<1x10x512xi32, #tpu.memory_space<hbm>> -> memref<10x512xi32, #tpu.memory_space<hbm>>
        tpu.wait_dma2 semaphore(%dma_wait3A_1180 : memref<!tpu.dma_semaphore, #tpu.memory_space<semaphore_mem>>) src(%dma_wait3A_1187 : memref<10x512xi32, #tpu.memory_space<hbm>>) dst(%dma_wait3A_1184 : memref<10x512xi32, #tpu.memory_space<vmem>>)
      } else {
      }
      %mul3A_414 = arith.constant 512 : i32
      %mul3A_415 = arith.muli %select_n3A, %mul3A_414 : i32
      %mul3A_416 = arith.constant 128 : i32
      %mul3A_417 = arith.muli %select_n3A_410, %mul3A_416 : i32
      %add3A_418 = arith.addi %mul3A_415, %mul3A_417 : i32
      %mul3A_419 = arith.constant 128 : i32
      %mul3A_420 = arith.muli %select_n3A_410, %mul3A_419 : i32
      %add3A_421 = arith.constant 0 : i32
      %add3A_422 = arith.addi %mul3A_420, %add3A_421 : i32
      %get3A = arith.constant 0 : i32
      %get3A_423 = arith.index_cast %select_n3A : i32 to index
      %get3A_424 = arith.index_cast %get3A : i32 to index
      %get3A_425 = arith.index_cast %add3A_422 : i32 to index
      %get3A_426 = tpu.vector_load %arg5[%get3A_423, %get3A_424, %get3A_425] {strides = array<i32>} : memref<10x10x512xi32, #tpu.memory_space<vmem>>, vector<16xi32>,
      %get3A_427 = arith.constant 1 : i32
      %get3A_428 = arith.index_cast %select_n3A : i32 to index
      %get3A_429 = arith.index_cast %get3A_427 : i32 to index
      %get3A_430 = arith.index_cast %add3A_422 : i32 to index
      %get3A_431 = tpu.vector_load %arg5[%get3A_428, %get3A_429, %get3A_430] {strides = array<i32>} : memref<10x10x512xi32, #tpu.memory_space<vmem>>, vector<16xi32>,
      %get3A_432 = arith.constant 2 : i32
      %get3A_433 = arith.index_cast %select_n3A : i32 to index
      %get3A_434 = arith.index_cast %get3A_432 : i32 to index
      %get3A_435 = arith.index_cast %add3A_422 : i32 to index
      %get3A_436 = tpu.vector_load %arg5[%get3A_433, %get3A_434, %get3A_435] {strides = array<i32>} : memref<10x10x512xi32, #tpu.memory_space<vmem>>, vector<16xi32>,
      %get3A_437 = arith.constant 3 : i32
      %get3A_438 = arith.index_cast %select_n3A : i32 to index
      %get3A_439 = arith.index_cast %get3A_437 : i32 to index
      %get3A_440 = arith.index_cast %add3A_422 : i32 to index
      %get3A_441 = tpu.vector_load %arg5[%get3A_438, %get3A_439, %get3A_440] {strides = array<i32>} : memref<10x10x512xi32, #tpu.memory_space<vmem>>, vector<16xi32>,
      %get3A_442 = arith.constant 4 : i32
      %get3A_443 = arith.index_cast %select_n3A : i32 to index
      %get3A_444 = arith.index_cast %get3A_442 : i32 to index
      %get3A_445 = arith.index_cast %add3A_422 : i32 to index
      %get3A_446 = tpu.vector_load %arg5[%get3A_443, %get3A_444, %get3A_445] {strides = array<i32>} : memref<10x10x512xi32, #tpu.memory_space<vmem>>, vector<16xi32>,
      %get3A_447 = arith.constant 5 : i32
      %get3A_448 = arith.index_cast %select_n3A : i32 to index
      %get3A_449 = arith.index_cast %get3A_447 : i32 to index
      %get3A_450 = arith.index_cast %add3A_422 : i32 to index
      %get3A_451 = tpu.vector_load %arg5[%get3A_448, %get3A_449, %get3A_450] {strides = array<i32>} : memref<10x10x512xi32, #tpu.memory_space<vmem>>, vector<16xi32>,
      %get3A_452 = arith.constant 6 : i32
      %get3A_453 = arith.index_cast %select_n3A : i32 to index
      %get3A_454 = arith.index_cast %get3A_452 : i32 to index
      %get3A_455 = arith.index_cast %add3A_422 : i32 to index
      %get3A_456 = tpu.vector_load %arg5[%get3A_453, %get3A_454, %get3A_455] {strides = array<i32>} : memref<10x10x512xi32, #tpu.memory_space<vmem>>, vector<16xi32>,
      %get3A_457 = arith.constant 7 : i32
      %get3A_458 = arith.index_cast %select_n3A : i32 to index
      %get3A_459 = arith.index_cast %get3A_457 : i32 to index
      %get3A_460 = arith.index_cast %add3A_422 : i32 to index
      %get3A_461 = tpu.vector_load %arg5[%get3A_458, %get3A_459, %get3A_460] {strides = array<i32>} : memref<10x10x512xi32, #tpu.memory_space<vmem>>, vector<16xi32>,
      %get3A_462 = arith.constant 8 : i32
      %get3A_463 = arith.index_cast %select_n3A : i32 to index
      %get3A_464 = arith.index_cast %get3A_462 : i32 to index
      %get3A_465 = arith.index_cast %add3A_422 : i32 to index
      %get3A_466 = tpu.vector_load %arg5[%get3A_463, %get3A_464, %get3A_465] {strides = array<i32>} : memref<10x10x512xi32, #tpu.memory_space<vmem>>, vector<16xi32>,
      %get3A_467 = arith.constant 9 : i32
      %get3A_468 = arith.index_cast %select_n3A : i32 to index
      %get3A_469 = arith.index_cast %get3A_467 : i32 to index
      %get3A_470 = arith.index_cast %add3A_422 : i32 to index
      %get3A_471 = tpu.vector_load %arg5[%get3A_468, %get3A_469, %get3A_470] {strides = array<i32>} : memref<10x10x512xi32, #tpu.memory_space<vmem>>, vector<16xi32>,
      %shift_left3A = arith.constant 2 : i32
      %shift_left3A_472 = vector.broadcast %shift_left3A : i32 to vector<16xi32>
      %shift_left3A_473 = arith.shli %get3A_431, %shift_left3A_472 : vector<16xi32>
      %add3A_474 = arith.addi %get3A_426, %shift_left3A_473 : vector<16xi32>
      %shift_left3A_475 = arith.constant 2 : i32
      %shift_left3A_476 = vector.broadcast %shift_left3A_475 : i32 to vector<16xi32>
      %shift_left3A_477 = arith.shli %get3A_441, %shift_left3A_476 : vector<16xi32>
      %add3A_478 = arith.addi %get3A_436, %shift_left3A_477 : vector<16xi32>
      %shift_left3A_479 = arith.constant 2 : i32
      %shift_left3A_480 = vector.broadcast %shift_left3A_479 : i32 to vector<16xi32>
      %shift_left3A_481 = arith.shli %get3A_451, %shift_left3A_480 : vector<16xi32>
      %add3A_482 = arith.addi %get3A_446, %shift_left3A_481 : vector<16xi32>
      %shift_left3A_483 = arith.constant 2 : i32
      %shift_left3A_484 = vector.broadcast %shift_left3A_483 : i32 to vector<16xi32>
      %shift_left3A_485 = arith.shli %get3A_461, %shift_left3A_484 : vector<16xi32>
      %add3A_486 = arith.addi %get3A_456, %shift_left3A_485 : vector<16xi32>
      %shift_left3A_487 = arith.constant 2 : i32
      %shift_left3A_488 = vector.broadcast %shift_left3A_487 : i32 to vector<16xi32>
      %shift_left3A_489 = arith.shli %get3A_471, %shift_left3A_488 : vector<16xi32>
      %add3A_490 = arith.addi %get3A_466, %shift_left3A_489 : vector<16xi32>
      %shift_left3A_491 = arith.constant 4 : i32
      %shift_left3A_492 = vector.broadcast %shift_left3A_491 : i32 to vector<16xi32>
      %shift_left3A_493 = arith.shli %add3A_478, %shift_left3A_492 : vector<16xi32>
      %add3A_494 = arith.addi %add3A_474, %shift_left3A_493 : vector<16xi32>
      %shift_left3A_495 = arith.constant 4 : i32
      %shift_left3A_496 = vector.broadcast %shift_left3A_495 : i32 to vector<16xi32>
      %shift_left3A_497 = arith.shli %add3A_486, %shift_left3A_496 : vector<16xi32>
      %add3A_498 = arith.addi %add3A_482, %shift_left3A_497 : vector<16xi32>
      %shift_left3A_499 = arith.constant 8 : i32
      %shift_left3A_500 = vector.broadcast %shift_left3A_499 : i32 to vector<16xi32>
      %shift_left3A_501 = arith.shli %add3A_498, %shift_left3A_500 : vector<16xi32>
      %add3A_502 = arith.addi %add3A_494, %shift_left3A_501 : vector<16xi32>
      %shift_left3A_503 = arith.constant 16 : i32
      %shift_left3A_504 = vector.broadcast %shift_left3A_503 : i32 to vector<16xi32>
      %shift_left3A_505 = arith.shli %add3A_490, %shift_left3A_504 : vector<16xi32>
      %add3A_506 = arith.addi %add3A_502, %shift_left3A_505 : vector<16xi32>
      %add3A_507 = arith.constant 0 : i32
      %add3A_508 = arith.addi %add3A_418, %add3A_507 : i32
      %swap3A = arith.index_cast %add3A_508 : i32 to index
      %swap3A_509 = tpu.vector_load %arg6[%swap3A] {strides = array<i32>} : memref<5120xi32, #tpu.memory_space<vmem>>, vector<16xi32>,
      tpu.vector_store %arg6[%swap3A], %add3A_506 {strides = array<i32>} : memref<5120xi32, #tpu.memory_space<vmem>>, vector<16xi32>,
      %mul3A_510 = arith.constant 128 : i32
      %mul3A_511 = arith.muli %select_n3A_410, %mul3A_510 : i32
      %add3A_512 = arith.constant 16 : i32
      %add3A_513 = arith.addi %mul3A_511, %add3A_512 : i32
      %get3A_514 = arith.constant 0 : i32
      %get3A_515 = arith.index_cast %select_n3A : i32 to index
      %get3A_516 = arith.index_cast %get3A_514 : i32 to index
      %get3A_517 = arith.index_cast %add3A_513 : i32 to index
      %get3A_518 = tpu.vector_load %arg5[%get3A_515, %get3A_516, %get3A_517] {strides = array<i32>} : memref<10x10x512xi32, #tpu.memory_space<vmem>>, vector<16xi32>,
      %get3A_519 = arith.constant 1 : i32
      %get3A_520 = arith.index_cast %select_n3A : i32 to index
      %get3A_521 = arith.index_cast %get3A_519 : i32 to index
      %get3A_522 = arith.index_cast %add3A_513 : i32 to index
      %get3A_523 = tpu.vector_load %arg5[%get3A_520, %get3A_521, %get3A_522] {strides = array<i32>} : memref<10x10x512xi32, #tpu.memory_space<vmem>>, vector<16xi32>,
      %get3A_524 = arith.constant 2 : i32
      %get3A_525 = arith.index_cast %select_n3A : i32 to index
      %get3A_526 = arith.index_cast %get3A_524 : i32 to index
      %get3A_527 = arith.index_cast %add3A_513 : i32 to index
      %get3A_528 = tpu.vector_load %arg5[%get3A_525, %get3A_526, %get3A_527] {strides = array<i32>} : memref<10x10x512xi32, #tpu.memory_space<vmem>>, vector<16xi32>,
      %get3A_529 = arith.constant 3 : i32
      %get3A_530 = arith.index_cast %select_n3A : i32 to index
      %get3A_531 = arith.index_cast %get3A_529 : i32 to index
      %get3A_532 = arith.index_cast %add3A_513 : i32 to index
      %get3A_533 = tpu.vector_load %arg5[%get3A_530, %get3A_531, %get3A_532] {strides = array<i32>} : memref<10x10x512xi32, #tpu.memory_space<vmem>>, vector<16xi32>,
      %get3A_534 = arith.constant 4 : i32
      %get3A_535 = arith.index_cast %select_n3A : i32 to index
      %get3A_536 = arith.index_cast %get3A_534 : i32 to index
      %get3A_537 = arith.index_cast %add3A_513 : i32 to index
      %get3A_538 = tpu.vector_load %arg5[%get3A_535, %get3A_536, %get3A_537] {strides = array<i32>} : memref<10x10x512xi32, #tpu.memory_space<vmem>>, vector<16xi32>,
      %get3A_539 = arith.constant 5 : i32
      %get3A_540 = arith.index_cast %select_n3A : i32 to index
      %get3A_541 = arith.index_cast %get3A_539 : i32 to index
      %get3A_542 = arith.index_cast %add3A_513 : i32 to index
      %get3A_543 = tpu.vector_load %arg5[%get3A_540, %get3A_541, %get3A_542] {strides = array<i32>} : memref<10x10x512xi32, #tpu.memory_space<vmem>>, vector<16xi32>,
      %get3A_544 = arith.constant 6 : i32
      %get3A_545 = arith.index_cast %select_n3A : i32 to index
      %get3A_546 = arith.index_cast %get3A_544 : i32 to index
      %get3A_547 = arith.index_cast %add3A_513 : i32 to index
      %get3A_548 = tpu.vector_load %arg5[%get3A_545, %get3A_546, %get3A_547] {strides = array<i32>} : memref<10x10x512xi32, #tpu.memory_space<vmem>>, vector<16xi32>,
      %get3A_549 = arith.constant 7 : i32
      %get3A_550 = arith.index_cast %select_n3A : i32 to index
      %get3A_551 = arith.index_cast %get3A_549 : i32 to index
      %get3A_552 = arith.index_cast %add3A_513 : i32 to index
      %get3A_553 = tpu.vector_load %arg5[%get3A_550, %get3A_551, %get3A_552] {strides = array<i32>} : memref<10x10x512xi32, #tpu.memory_space<vmem>>, vector<16xi32>,
      %get3A_554 = arith.constant 8 : i32
      %get3A_555 = arith.index_cast %select_n3A : i32 to index
      %get3A_556 = arith.index_cast %get3A_554 : i32 to index
      %get3A_557 = arith.index_cast %add3A_513 : i32 to index
      %get3A_558 = tpu.vector_load %arg5[%get3A_555, %get3A_556, %get3A_557] {strides = array<i32>} : memref<10x10x512xi32, #tpu.memory_space<vmem>>, vector<16xi32>,
      %get3A_559 = arith.constant 9 : i32
      %get3A_560 = arith.index_cast %select_n3A : i32 to index
      %get3A_561 = arith.index_cast %get3A_559 : i32 to index
      %get3A_562 = arith.index_cast %add3A_513 : i32 to index
      %get3A_563 = tpu.vector_load %arg5[%get3A_560, %get3A_561, %get3A_562] {strides = array<i32>} : memref<10x10x512xi32, #tpu.memory_space<vmem>>, vector<16xi32>,
      %shift_left3A_564 = arith.constant 2 : i32
      %shift_left3A_565 = vector.broadcast %shift_left3A_564 : i32 to vector<16xi32>
      %shift_left3A_566 = arith.shli %get3A_523, %shift_left3A_565 : vector<16xi32>
      %add3A_567 = arith.addi %get3A_518, %shift_left3A_566 : vector<16xi32>
      %shift_left3A_568 = arith.constant 2 : i32
      %shift_left3A_569 = vector.broadcast %shift_left3A_568 : i32 to vector<16xi32>
      %shift_left3A_570 = arith.shli %get3A_533, %shift_left3A_569 : vector<16xi32>
      %add3A_571 = arith.addi %get3A_528, %shift_left3A_570 : vector<16xi32>
      %shift_left3A_572 = arith.constant 2 : i32
      %shift_left3A_573 = vector.broadcast %shift_left3A_572 : i32 to vector<16xi32>
      %shift_left3A_574 = arith.shli %get3A_543, %shift_left3A_573 : vector<16xi32>
      %add3A_575 = arith.addi %get3A_538, %shift_left3A_574 : vector<16xi32>
      %shift_left3A_576 = arith.constant 2 : i32
      %shift_left3A_577 = vector.broadcast %shift_left3A_576 : i32 to vector<16xi32>
      %shift_left3A_578 = arith.shli %get3A_553, %shift_left3A_577 : vector<16xi32>
      %add3A_579 = arith.addi %get3A_548, %shift_left3A_578 : vector<16xi32>
      %shift_left3A_580 = arith.constant 2 : i32
      %shift_left3A_581 = vector.broadcast %shift_left3A_580 : i32 to vector<16xi32>
      %shift_left3A_582 = arith.shli %get3A_563, %shift_left3A_581 : vector<16xi32>
      %add3A_583 = arith.addi %get3A_558, %shift_left3A_582 : vector<16xi32>
      %shift_left3A_584 = arith.constant 4 : i32
      %shift_left3A_585 = vector.broadcast %shift_left3A_584 : i32 to vector<16xi32>
      %shift_left3A_586 = arith.shli %add3A_571, %shift_left3A_585 : vector<16xi32>
      %add3A_587 = arith.addi %add3A_567, %shift_left3A_586 : vector<16xi32>
      %shift_left3A_588 = arith.constant 4 : i32
      %shift_left3A_589 = vector.broadcast %shift_left3A_588 : i32 to vector<16xi32>
      %shift_left3A_590 = arith.shli %add3A_579, %shift_left3A_589 : vector<16xi32>
      %add3A_591 = arith.addi %add3A_575, %shift_left3A_590 : vector<16xi32>
      %shift_left3A_592 = arith.constant 8 : i32
      %shift_left3A_593 = vector.broadcast %shift_left3A_592 : i32 to vector<16xi32>
      %shift_left3A_594 = arith.shli %add3A_591, %shift_left3A_593 : vector<16xi32>
      %add3A_595 = arith.addi %add3A_587, %shift_left3A_594 : vector<16xi32>
      %shift_left3A_596 = arith.constant 16 : i32
      %shift_left3A_597 = vector.broadcast %shift_left3A_596 : i32 to vector<16xi32>
      %shift_left3A_598 = arith.shli %add3A_583, %shift_left3A_597 : vector<16xi32>
      %add3A_599 = arith.addi %add3A_595, %shift_left3A_598 : vector<16xi32>
      %add3A_600 = arith.constant 16 : i32
      %add3A_601 = arith.addi %add3A_418, %add3A_600 : i32
      %swap3A_602 = arith.index_cast %add3A_601 : i32 to index
      %swap3A_603 = tpu.vector_load %arg6[%swap3A_602] {strides = array<i32>} : memref<5120xi32, #tpu.memory_space<vmem>>, vector<16xi32>,
      tpu.vector_store %arg6[%swap3A_602], %add3A_599 {strides = array<i32>} : memref<5120xi32, #tpu.memory_space<vmem>>, vector<16xi32>,
      %mul3A_604 = arith.constant 128 : i32
      %mul3A_605 = arith.muli %select_n3A_410, %mul3A_604 : i32
      %add3A_606 = arith.constant 32 : i32
      %add3A_607 = arith.addi %mul3A_605, %add3A_606 : i32
      %get3A_608 = arith.constant 0 : i32
      %get3A_609 = arith.index_cast %select_n3A : i32 to index
      %get3A_610 = arith.index_cast %get3A_608 : i32 to index
      %get3A_611 = arith.index_cast %add3A_607 : i32 to index
      %get3A_612 = tpu.vector_load %arg5[%get3A_609, %get3A_610, %get3A_611] {strides = array<i32>} : memref<10x10x512xi32, #tpu.memory_space<vmem>>, vector<16xi32>,
      %get3A_613 = arith.constant 1 : i32
      %get3A_614 = arith.index_cast %select_n3A : i32 to index
      %get3A_615 = arith.index_cast %get3A_613 : i32 to index
      %get3A_616 = arith.index_cast %add3A_607 : i32 to index
      %get3A_617 = tpu.vector_load %arg5[%get3A_614, %get3A_615, %get3A_616] {strides = array<i32>} : memref<10x10x512xi32, #tpu.memory_space<vmem>>, vector<16xi32>,
      %get3A_618 = arith.constant 2 : i32
      %get3A_619 = arith.index_cast %select_n3A : i32 to index
      %get3A_620 = arith.index_cast %get3A_618 : i32 to index
      %get3A_621 = arith.index_cast %add3A_607 : i32 to index
      %get3A_622 = tpu.vector_load %arg5[%get3A_619, %get3A_620, %get3A_621] {strides = array<i32>} : memref<10x10x512xi32, #tpu.memory_space<vmem>>, vector<16xi32>,
      %get3A_623 = arith.constant 3 : i32
      %get3A_624 = arith.index_cast %select_n3A : i32 to index
      %get3A_625 = arith.index_cast %get3A_623 : i32 to index
      %get3A_626 = arith.index_cast %add3A_607 : i32 to index
      %get3A_627 = tpu.vector_load %arg5[%get3A_624, %get3A_625, %get3A_626] {strides = array<i32>} : memref<10x10x512xi32, #tpu.memory_space<vmem>>, vector<16xi32>,
      %get3A_628 = arith.constant 4 : i32
      %get3A_629 = arith.index_cast %select_n3A : i32 to index
      %get3A_630 = arith.index_cast %get3A_628 : i32 to index
      %get3A_631 = arith.index_cast %add3A_607 : i32 to index
      %get3A_632 = tpu.vector_load %arg5[%get3A_629, %get3A_630, %get3A_631] {strides = array<i32>} : memref<10x10x512xi32, #tpu.memory_space<vmem>>, vector<16xi32>,
      %get3A_633 = arith.constant 5 : i32
      %get3A_634 = arith.index_cast %select_n3A : i32 to index
      %get3A_635 = arith.index_cast %get3A_633 : i32 to index
      %get3A_636 = arith.index_cast %add3A_607 : i32 to index
      %get3A_637 = tpu.vector_load %arg5[%get3A_634, %get3A_635, %get3A_636] {strides = array<i32>} : memref<10x10x512xi32, #tpu.memory_space<vmem>>, vector<16xi32>,
      %get3A_638 = arith.constant 6 : i32
      %get3A_639 = arith.index_cast %select_n3A : i32 to index
      %get3A_640 = arith.index_cast %get3A_638 : i32 to index
      %get3A_641 = arith.index_cast %add3A_607 : i32 to index
      %get3A_642 = tpu.vector_load %arg5[%get3A_639, %get3A_640, %get3A_641] {strides = array<i32>} : memref<10x10x512xi32, #tpu.memory_space<vmem>>, vector<16xi32>,
      %get3A_643 = arith.constant 7 : i32
      %get3A_644 = arith.index_cast %select_n3A : i32 to index
      %get3A_645 = arith.index_cast %get3A_643 : i32 to index
      %get3A_646 = arith.index_cast %add3A_607 : i32 to index
      %get3A_647 = tpu.vector_load %arg5[%get3A_644, %get3A_645, %get3A_646] {strides = array<i32>} : memref<10x10x512xi32, #tpu.memory_space<vmem>>, vector<16xi32>,
      %get3A_648 = arith.constant 8 : i32
      %get3A_649 = arith.index_cast %select_n3A : i32 to index
      %get3A_650 = arith.index_cast %get3A_648 : i32 to index
      %get3A_651 = arith.index_cast %add3A_607 : i32 to index
      %get3A_652 = tpu.vector_load %arg5[%get3A_649, %get3A_650, %get3A_651] {strides = array<i32>} : memref<10x10x512xi32, #tpu.memory_space<vmem>>, vector<16xi32>,
      %get3A_653 = arith.constant 9 : i32
      %get3A_654 = arith.index_cast %select_n3A : i32 to index
      %get3A_655 = arith.index_cast %get3A_653 : i32 to index
      %get3A_656 = arith.index_cast %add3A_607 : i32 to index
      %get3A_657 = tpu.vector_load %arg5[%get3A_654, %get3A_655, %get3A_656] {strides = array<i32>} : memref<10x10x512xi32, #tpu.memory_space<vmem>>, vector<16xi32>,
      %shift_left3A_658 = arith.constant 2 : i32
      %shift_left3A_659 = vector.broadcast %shift_left3A_658 : i32 to vector<16xi32>
      %shift_left3A_660 = arith.shli %get3A_617, %shift_left3A_659 : vector<16xi32>
      %add3A_661 = arith.addi %get3A_612, %shift_left3A_660 : vector<16xi32>
      %shift_left3A_662 = arith.constant 2 : i32
      %shift_left3A_663 = vector.broadcast %shift_left3A_662 : i32 to vector<16xi32>
      %shift_left3A_664 = arith.shli %get3A_627, %shift_left3A_663 : vector<16xi32>
      %add3A_665 = arith.addi %get3A_622, %shift_left3A_664 : vector<16xi32>
      %shift_left3A_666 = arith.constant 2 : i32
      %shift_left3A_667 = vector.broadcast %shift_left3A_666 : i32 to vector<16xi32>
      %shift_left3A_668 = arith.shli %get3A_637, %shift_left3A_667 : vector<16xi32>
      %add3A_669 = arith.addi %get3A_632, %shift_left3A_668 : vector<16xi32>
      %shift_left3A_670 = arith.constant 2 : i32
      %shift_left3A_671 = vector.broadcast %shift_left3A_670 : i32 to vector<16xi32>
      %shift_left3A_672 = arith.shli %get3A_647, %shift_left3A_671 : vector<16xi32>
      %add3A_673 = arith.addi %get3A_642, %shift_left3A_672 : vector<16xi32>
      %shift_left3A_674 = arith.constant 2 : i32
      %shift_left3A_675 = vector.broadcast %shift_left3A_674 : i32 to vector<16xi32>
      %shift_left3A_676 = arith.shli %get3A_657, %shift_left3A_675 : vector<16xi32>
      %add3A_677 = arith.addi %get3A_652, %shift_left3A_676 : vector<16xi32>
      %shift_left3A_678 = arith.constant 4 : i32
      %shift_left3A_679 = vector.broadcast %shift_left3A_678 : i32 to vector<16xi32>
      %shift_left3A_680 = arith.shli %add3A_665, %shift_left3A_679 : vector<16xi32>
      %add3A_681 = arith.addi %add3A_661, %shift_left3A_680 : vector<16xi32>
      %shift_left3A_682 = arith.constant 4 : i32
      %shift_left3A_683 = vector.broadcast %shift_left3A_682 : i32 to vector<16xi32>
      %shift_left3A_684 = arith.shli %add3A_673, %shift_left3A_683 : vector<16xi32>
      %add3A_685 = arith.addi %add3A_669, %shift_left3A_684 : vector<16xi32>
      %shift_left3A_686 = arith.constant 8 : i32
      %shift_left3A_687 = vector.broadcast %shift_left3A_686 : i32 to vector<16xi32>
      %shift_left3A_688 = arith.shli %add3A_685, %shift_left3A_687 : vector<16xi32>
      %add3A_689 = arith.addi %add3A_681, %shift_left3A_688 : vector<16xi32>
      %shift_left3A_690 = arith.constant 16 : i32
      %shift_left3A_691 = vector.broadcast %shift_left3A_690 : i32 to vector<16xi32>
      %shift_left3A_692 = arith.shli %add3A_677, %shift_left3A_691 : vector<16xi32>
      %add3A_693 = arith.addi %add3A_689, %shift_left3A_692 : vector<16xi32>
      %add3A_694 = arith.constant 32 : i32
      %add3A_695 = arith.addi %add3A_418, %add3A_694 : i32
      %swap3A_696 = arith.index_cast %add3A_695 : i32 to index
      %swap3A_697 = tpu.vector_load %arg6[%swap3A_696] {strides = array<i32>} : memref<5120xi32, #tpu.memory_space<vmem>>, vector<16xi32>,
      tpu.vector_store %arg6[%swap3A_696], %add3A_693 {strides = array<i32>} : memref<5120xi32, #tpu.memory_space<vmem>>, vector<16xi32>,
      %mul3A_698 = arith.constant 128 : i32
      %mul3A_699 = arith.muli %select_n3A_410, %mul3A_698 : i32
      %add3A_700 = arith.constant 48 : i32
      %add3A_701 = arith.addi %mul3A_699, %add3A_700 : i32
      %get3A_702 = arith.constant 0 : i32
      %get3A_703 = arith.index_cast %select_n3A : i32 to index
      %get3A_704 = arith.index_cast %get3A_702 : i32 to index
      %get3A_705 = arith.index_cast %add3A_701 : i32 to index
      %get3A_706 = tpu.vector_load %arg5[%get3A_703, %get3A_704, %get3A_705] {strides = array<i32>} : memref<10x10x512xi32, #tpu.memory_space<vmem>>, vector<16xi32>,
      %get3A_707 = arith.constant 1 : i32
      %get3A_708 = arith.index_cast %select_n3A : i32 to index
      %get3A_709 = arith.index_cast %get3A_707 : i32 to index
      %get3A_710 = arith.index_cast %add3A_701 : i32 to index
      %get3A_711 = tpu.vector_load %arg5[%get3A_708, %get3A_709, %get3A_710] {strides = array<i32>} : memref<10x10x512xi32, #tpu.memory_space<vmem>>, vector<16xi32>,
      %get3A_712 = arith.constant 2 : i32
      %get3A_713 = arith.index_cast %select_n3A : i32 to index
      %get3A_714 = arith.index_cast %get3A_712 : i32 to index
      %get3A_715 = arith.index_cast %add3A_701 : i32 to index
      %get3A_716 = tpu.vector_load %arg5[%get3A_713, %get3A_714, %get3A_715] {strides = array<i32>} : memref<10x10x512xi32, #tpu.memory_space<vmem>>, vector<16xi32>,
      %get3A_717 = arith.constant 3 : i32
      %get3A_718 = arith.index_cast %select_n3A : i32 to index
      %get3A_719 = arith.index_cast %get3A_717 : i32 to index
      %get3A_720 = arith.index_cast %add3A_701 : i32 to index
      %get3A_721 = tpu.vector_load %arg5[%get3A_718, %get3A_719, %get3A_720] {strides = array<i32>} : memref<10x10x512xi32, #tpu.memory_space<vmem>>, vector<16xi32>,
      %get3A_722 = arith.constant 4 : i32
      %get3A_723 = arith.index_cast %select_n3A : i32 to index
      %get3A_724 = arith.index_cast %get3A_722 : i32 to index
      %get3A_725 = arith.index_cast %add3A_701 : i32 to index
      %get3A_726 = tpu.vector_load %arg5[%get3A_723, %get3A_724, %get3A_725] {strides = array<i32>} : memref<10x10x512xi32, #tpu.memory_space<vmem>>, vector<16xi32>,
      %get3A_727 = arith.constant 5 : i32
      %get3A_728 = arith.index_cast %select_n3A : i32 to index
      %get3A_729 = arith.index_cast %get3A_727 : i32 to index
      %get3A_730 = arith.index_cast %add3A_701 : i32 to index
      %get3A_731 = tpu.vector_load %arg5[%get3A_728, %get3A_729, %get3A_730] {strides = array<i32>} : memref<10x10x512xi32, #tpu.memory_space<vmem>>, vector<16xi32>,
      %get3A_732 = arith.constant 6 : i32
      %get3A_733 = arith.index_cast %select_n3A : i32 to index
      %get3A_734 = arith.index_cast %get3A_732 : i32 to index
      %get3A_735 = arith.index_cast %add3A_701 : i32 to index
      %get3A_736 = tpu.vector_load %arg5[%get3A_733, %get3A_734, %get3A_735] {strides = array<i32>} : memref<10x10x512xi32, #tpu.memory_space<vmem>>, vector<16xi32>,
      %get3A_737 = arith.constant 7 : i32
      %get3A_738 = arith.index_cast %select_n3A : i32 to index
      %get3A_739 = arith.index_cast %get3A_737 : i32 to index
      %get3A_740 = arith.index_cast %add3A_701 : i32 to index
      %get3A_741 = tpu.vector_load %arg5[%get3A_738, %get3A_739, %get3A_740] {strides = array<i32>} : memref<10x10x512xi32, #tpu.memory_space<vmem>>, vector<16xi32>,
      %get3A_742 = arith.constant 8 : i32
      %get3A_743 = arith.index_cast %select_n3A : i32 to index
      %get3A_744 = arith.index_cast %get3A_742 : i32 to index
      %get3A_745 = arith.index_cast %add3A_701 : i32 to index
      %get3A_746 = tpu.vector_load %arg5[%get3A_743, %get3A_744, %get3A_745] {strides = array<i32>} : memref<10x10x512xi32, #tpu.memory_space<vmem>>, vector<16xi32>,
      %get3A_747 = arith.constant 9 : i32
      %get3A_748 = arith.index_cast %select_n3A : i32 to index
      %get3A_749 = arith.index_cast %get3A_747 : i32 to index
      %get3A_750 = arith.index_cast %add3A_701 : i32 to index
      %get3A_751 = tpu.vector_load %arg5[%get3A_748, %get3A_749, %get3A_750] {strides = array<i32>} : memref<10x10x512xi32, #tpu.memory_space<vmem>>, vector<16xi32>,
      %shift_left3A_752 = arith.constant 2 : i32
      %shift_left3A_753 = vector.broadcast %shift_left3A_752 : i32 to vector<16xi32>
      %shift_left3A_754 = arith.shli %get3A_711, %shift_left3A_753 : vector<16xi32>
      %add3A_755 = arith.addi %get3A_706, %shift_left3A_754 : vector<16xi32>
      %shift_left3A_756 = arith.constant 2 : i32
      %shift_left3A_757 = vector.broadcast %shift_left3A_756 : i32 to vector<16xi32>
      %shift_left3A_758 = arith.shli %get3A_721, %shift_left3A_757 : vector<16xi32>
      %add3A_759 = arith.addi %get3A_716, %shift_left3A_758 : vector<16xi32>
      %shift_left3A_760 = arith.constant 2 : i32
      %shift_left3A_761 = vector.broadcast %shift_left3A_760 : i32 to vector<16xi32>
      %shift_left3A_762 = arith.shli %get3A_731, %shift_left3A_761 : vector<16xi32>
      %add3A_763 = arith.addi %get3A_726, %shift_left3A_762 : vector<16xi32>
      %shift_left3A_764 = arith.constant 2 : i32
      %shift_left3A_765 = vector.broadcast %shift_left3A_764 : i32 to vector<16xi32>
      %shift_left3A_766 = arith.shli %get3A_741, %shift_left3A_765 : vector<16xi32>
      %add3A_767 = arith.addi %get3A_736, %shift_left3A_766 : vector<16xi32>
      %shift_left3A_768 = arith.constant 2 : i32
      %shift_left3A_769 = vector.broadcast %shift_left3A_768 : i32 to vector<16xi32>
      %shift_left3A_770 = arith.shli %get3A_751, %shift_left3A_769 : vector<16xi32>
      %add3A_771 = arith.addi %get3A_746, %shift_left3A_770 : vector<16xi32>
      %shift_left3A_772 = arith.constant 4 : i32
      %shift_left3A_773 = vector.broadcast %shift_left3A_772 : i32 to vector<16xi32>
      %shift_left3A_774 = arith.shli %add3A_759, %shift_left3A_773 : vector<16xi32>
      %add3A_775 = arith.addi %add3A_755, %shift_left3A_774 : vector<16xi32>
      %shift_left3A_776 = arith.constant 4 : i32
      %shift_left3A_777 = vector.broadcast %shift_left3A_776 : i32 to vector<16xi32>
      %shift_left3A_778 = arith.shli %add3A_767, %shift_left3A_777 : vector<16xi32>
      %add3A_779 = arith.addi %add3A_763, %shift_left3A_778 : vector<16xi32>
      %shift_left3A_780 = arith.constant 8 : i32
      %shift_left3A_781 = vector.broadcast %shift_left3A_780 : i32 to vector<16xi32>
      %shift_left3A_782 = arith.shli %add3A_779, %shift_left3A_781 : vector<16xi32>
      %add3A_783 = arith.addi %add3A_775, %shift_left3A_782 : vector<16xi32>
      %shift_left3A_784 = arith.constant 16 : i32
      %shift_left3A_785 = vector.broadcast %shift_left3A_784 : i32 to vector<16xi32>
      %shift_left3A_786 = arith.shli %add3A_771, %shift_left3A_785 : vector<16xi32>
      %add3A_787 = arith.addi %add3A_783, %shift_left3A_786 : vector<16xi32>
      %add3A_788 = arith.constant 48 : i32
      %add3A_789 = arith.addi %add3A_418, %add3A_788 : i32
      %swap3A_790 = arith.index_cast %add3A_789 : i32 to index
      %swap3A_791 = tpu.vector_load %arg6[%swap3A_790] {strides = array<i32>} : memref<5120xi32, #tpu.memory_space<vmem>>, vector<16xi32>,
      tpu.vector_store %arg6[%swap3A_790], %add3A_787 {strides = array<i32>} : memref<5120xi32, #tpu.memory_space<vmem>>, vector<16xi32>,
      %mul3A_792 = arith.constant 128 : i32
      %mul3A_793 = arith.muli %select_n3A_410, %mul3A_792 : i32
      %add3A_794 = arith.constant 64 : i32
      %add3A_795 = arith.addi %mul3A_793, %add3A_794 : i32
      %get3A_796 = arith.constant 0 : i32
      %get3A_797 = arith.index_cast %select_n3A : i32 to index
      %get3A_798 = arith.index_cast %get3A_796 : i32 to index
      %get3A_799 = arith.index_cast %add3A_795 : i32 to index
      %get3A_800 = tpu.vector_load %arg5[%get3A_797, %get3A_798, %get3A_799] {strides = array<i32>} : memref<10x10x512xi32, #tpu.memory_space<vmem>>, vector<16xi32>,
      %get3A_801 = arith.constant 1 : i32
      %get3A_802 = arith.index_cast %select_n3A : i32 to index
      %get3A_803 = arith.index_cast %get3A_801 : i32 to index
      %get3A_804 = arith.index_cast %add3A_795 : i32 to index
      %get3A_805 = tpu.vector_load %arg5[%get3A_802, %get3A_803, %get3A_804] {strides = array<i32>} : memref<10x10x512xi32, #tpu.memory_space<vmem>>, vector<16xi32>,
      %get3A_806 = arith.constant 2 : i32
      %get3A_807 = arith.index_cast %select_n3A : i32 to index
      %get3A_808 = arith.index_cast %get3A_806 : i32 to index
      %get3A_809 = arith.index_cast %add3A_795 : i32 to index
      %get3A_810 = tpu.vector_load %arg5[%get3A_807, %get3A_808, %get3A_809] {strides = array<i32>} : memref<10x10x512xi32, #tpu.memory_space<vmem>>, vector<16xi32>,
      %get3A_811 = arith.constant 3 : i32
      %get3A_812 = arith.index_cast %select_n3A : i32 to index
      %get3A_813 = arith.index_cast %get3A_811 : i32 to index
      %get3A_814 = arith.index_cast %add3A_795 : i32 to index
      %get3A_815 = tpu.vector_load %arg5[%get3A_812, %get3A_813, %get3A_814] {strides = array<i32>} : memref<10x10x512xi32, #tpu.memory_space<vmem>>, vector<16xi32>,
      %get3A_816 = arith.constant 4 : i32
      %get3A_817 = arith.index_cast %select_n3A : i32 to index
      %get3A_818 = arith.index_cast %get3A_816 : i32 to index
      %get3A_819 = arith.index_cast %add3A_795 : i32 to index
      %get3A_820 = tpu.vector_load %arg5[%get3A_817, %get3A_818, %get3A_819] {strides = array<i32>} : memref<10x10x512xi32, #tpu.memory_space<vmem>>, vector<16xi32>,
      %get3A_821 = arith.constant 5 : i32
      %get3A_822 = arith.index_cast %select_n3A : i32 to index
      %get3A_823 = arith.index_cast %get3A_821 : i32 to index
      %get3A_824 = arith.index_cast %add3A_795 : i32 to index
      %get3A_825 = tpu.vector_load %arg5[%get3A_822, %get3A_823, %get3A_824] {strides = array<i32>} : memref<10x10x512xi32, #tpu.memory_space<vmem>>, vector<16xi32>,
      %get3A_826 = arith.constant 6 : i32
      %get3A_827 = arith.index_cast %select_n3A : i32 to index
      %get3A_828 = arith.index_cast %get3A_826 : i32 to index
      %get3A_829 = arith.index_cast %add3A_795 : i32 to index
      %get3A_830 = tpu.vector_load %arg5[%get3A_827, %get3A_828, %get3A_829] {strides = array<i32>} : memref<10x10x512xi32, #tpu.memory_space<vmem>>, vector<16xi32>,
      %get3A_831 = arith.constant 7 : i32
      %get3A_832 = arith.index_cast %select_n3A : i32 to index
      %get3A_833 = arith.index_cast %get3A_831 : i32 to index
      %get3A_834 = arith.index_cast %add3A_795 : i32 to index
      %get3A_835 = tpu.vector_load %arg5[%get3A_832, %get3A_833, %get3A_834] {strides = array<i32>} : memref<10x10x512xi32, #tpu.memory_space<vmem>>, vector<16xi32>,
      %get3A_836 = arith.constant 8 : i32
      %get3A_837 = arith.index_cast %select_n3A : i32 to index
      %get3A_838 = arith.index_cast %get3A_836 : i32 to index
      %get3A_839 = arith.index_cast %add3A_795 : i32 to index
      %get3A_840 = tpu.vector_load %arg5[%get3A_837, %get3A_838, %get3A_839] {strides = array<i32>} : memref<10x10x512xi32, #tpu.memory_space<vmem>>, vector<16xi32>,
      %get3A_841 = arith.constant 9 : i32
      %get3A_842 = arith.index_cast %select_n3A : i32 to index
      %get3A_843 = arith.index_cast %get3A_841 : i32 to index
      %get3A_844 = arith.index_cast %add3A_795 : i32 to index
      %get3A_845 = tpu.vector_load %arg5[%get3A_842, %get3A_843, %get3A_844] {strides = array<i32>} : memref<10x10x512xi32, #tpu.memory_space<vmem>>, vector<16xi32>,
      %shift_left3A_846 = arith.constant 2 : i32
      %shift_left3A_847 = vector.broadcast %shift_left3A_846 : i32 to vector<16xi32>
      %shift_left3A_848 = arith.shli %get3A_805, %shift_left3A_847 : vector<16xi32>
      %add3A_849 = arith.addi %get3A_800, %shift_left3A_848 : vector<16xi32>
      %shift_left3A_850 = arith.constant 2 : i32
      %shift_left3A_851 = vector.broadcast %shift_left3A_850 : i32 to vector<16xi32>
      %shift_left3A_852 = arith.shli %get3A_815, %shift_left3A_851 : vector<16xi32>
      %add3A_853 = arith.addi %get3A_810, %shift_left3A_852 : vector<16xi32>
      %shift_left3A_854 = arith.constant 2 : i32
      %shift_left3A_855 = vector.broadcast %shift_left3A_854 : i32 to vector<16xi32>
      %shift_left3A_856 = arith.shli %get3A_825, %shift_left3A_855 : vector<16xi32>
      %add3A_857 = arith.addi %get3A_820, %shift_left3A_856 : vector<16xi32>
      %shift_left3A_858 = arith.constant 2 : i32
      %shift_left3A_859 = vector.broadcast %shift_left3A_858 : i32 to vector<16xi32>
      %shift_left3A_860 = arith.shli %get3A_835, %shift_left3A_859 : vector<16xi32>
      %add3A_861 = arith.addi %get3A_830, %shift_left3A_860 : vector<16xi32>
      %shift_left3A_862 = arith.constant 2 : i32
      %shift_left3A_863 = vector.broadcast %shift_left3A_862 : i32 to vector<16xi32>
      %shift_left3A_864 = arith.shli %get3A_845, %shift_left3A_863 : vector<16xi32>
      %add3A_865 = arith.addi %get3A_840, %shift_left3A_864 : vector<16xi32>
      %shift_left3A_866 = arith.constant 4 : i32
      %shift_left3A_867 = vector.broadcast %shift_left3A_866 : i32 to vector<16xi32>
      %shift_left3A_868 = arith.shli %add3A_853, %shift_left3A_867 : vector<16xi32>
      %add3A_869 = arith.addi %add3A_849, %shift_left3A_868 : vector<16xi32>
      %shift_left3A_870 = arith.constant 4 : i32
      %shift_left3A_871 = vector.broadcast %shift_left3A_870 : i32 to vector<16xi32>
      %shift_left3A_872 = arith.shli %add3A_861, %shift_left3A_871 : vector<16xi32>
      %add3A_873 = arith.addi %add3A_857, %shift_left3A_872 : vector<16xi32>
      %shift_left3A_874 = arith.constant 8 : i32
      %shift_left3A_875 = vector.broadcast %shift_left3A_874 : i32 to vector<16xi32>
      %shift_left3A_876 = arith.shli %add3A_873, %shift_left3A_875 : vector<16xi32>
      %add3A_877 = arith.addi %add3A_869, %shift_left3A_876 : vector<16xi32>
      %shift_left3A_878 = arith.constant 16 : i32
      %shift_left3A_879 = vector.broadcast %shift_left3A_878 : i32 to vector<16xi32>
      %shift_left3A_880 = arith.shli %add3A_865, %shift_left3A_879 : vector<16xi32>
      %add3A_881 = arith.addi %add3A_877, %shift_left3A_880 : vector<16xi32>
      %add3A_882 = arith.constant 64 : i32
      %add3A_883 = arith.addi %add3A_418, %add3A_882 : i32
      %swap3A_884 = arith.index_cast %add3A_883 : i32 to index
      %swap3A_885 = tpu.vector_load %arg6[%swap3A_884] {strides = array<i32>} : memref<5120xi32, #tpu.memory_space<vmem>>, vector<16xi32>,
      tpu.vector_store %arg6[%swap3A_884], %add3A_881 {strides = array<i32>} : memref<5120xi32, #tpu.memory_space<vmem>>, vector<16xi32>,
      %mul3A_886 = arith.constant 128 : i32
      %mul3A_887 = arith.muli %select_n3A_410, %mul3A_886 : i32
      %add3A_888 = arith.constant 80 : i32
      %add3A_889 = arith.addi %mul3A_887, %add3A_888 : i32
      %get3A_890 = arith.constant 0 : i32
      %get3A_891 = arith.index_cast %select_n3A : i32 to index
      %get3A_892 = arith.index_cast %get3A_890 : i32 to index
      %get3A_893 = arith.index_cast %add3A_889 : i32 to index
      %get3A_894 = tpu.vector_load %arg5[%get3A_891, %get3A_892, %get3A_893] {strides = array<i32>} : memref<10x10x512xi32, #tpu.memory_space<vmem>>, vector<16xi32>,
      %get3A_895 = arith.constant 1 : i32
      %get3A_896 = arith.index_cast %select_n3A : i32 to index
      %get3A_897 = arith.index_cast %get3A_895 : i32 to index
      %get3A_898 = arith.index_cast %add3A_889 : i32 to index
      %get3A_899 = tpu.vector_load %arg5[%get3A_896, %get3A_897, %get3A_898] {strides = array<i32>} : memref<10x10x512xi32, #tpu.memory_space<vmem>>, vector<16xi32>,
      %get3A_900 = arith.constant 2 : i32
      %get3A_901 = arith.index_cast %select_n3A : i32 to index
      %get3A_902 = arith.index_cast %get3A_900 : i32 to index
      %get3A_903 = arith.index_cast %add3A_889 : i32 to index
      %get3A_904 = tpu.vector_load %arg5[%get3A_901, %get3A_902, %get3A_903] {strides = array<i32>} : memref<10x10x512xi32, #tpu.memory_space<vmem>>, vector<16xi32>,
      %get3A_905 = arith.constant 3 : i32
      %get3A_906 = arith.index_cast %select_n3A : i32 to index
      %get3A_907 = arith.index_cast %get3A_905 : i32 to index
      %get3A_908 = arith.index_cast %add3A_889 : i32 to index
      %get3A_909 = tpu.vector_load %arg5[%get3A_906, %get3A_907, %get3A_908] {strides = array<i32>} : memref<10x10x512xi32, #tpu.memory_space<vmem>>, vector<16xi32>,
      %get3A_910 = arith.constant 4 : i32
      %get3A_911 = arith.index_cast %select_n3A : i32 to index
      %get3A_912 = arith.index_cast %get3A_910 : i32 to index
      %get3A_913 = arith.index_cast %add3A_889 : i32 to index
      %get3A_914 = tpu.vector_load %arg5[%get3A_911, %get3A_912, %get3A_913] {strides = array<i32>} : memref<10x10x512xi32, #tpu.memory_space<vmem>>, vector<16xi32>,
      %get3A_915 = arith.constant 5 : i32
      %get3A_916 = arith.index_cast %select_n3A : i32 to index
      %get3A_917 = arith.index_cast %get3A_915 : i32 to index
      %get3A_918 = arith.index_cast %add3A_889 : i32 to index
      %get3A_919 = tpu.vector_load %arg5[%get3A_916, %get3A_917, %get3A_918] {strides = array<i32>} : memref<10x10x512xi32, #tpu.memory_space<vmem>>, vector<16xi32>,
      %get3A_920 = arith.constant 6 : i32
      %get3A_921 = arith.index_cast %select_n3A : i32 to index
      %get3A_922 = arith.index_cast %get3A_920 : i32 to index
      %get3A_923 = arith.index_cast %add3A_889 : i32 to index
      %get3A_924 = tpu.vector_load %arg5[%get3A_921, %get3A_922, %get3A_923] {strides = array<i32>} : memref<10x10x512xi32, #tpu.memory_space<vmem>>, vector<16xi32>,
      %get3A_925 = arith.constant 7 : i32
      %get3A_926 = arith.index_cast %select_n3A : i32 to index
      %get3A_927 = arith.index_cast %get3A_925 : i32 to index
      %get3A_928 = arith.index_cast %add3A_889 : i32 to index
      %get3A_929 = tpu.vector_load %arg5[%get3A_926, %get3A_927, %get3A_928] {strides = array<i32>} : memref<10x10x512xi32, #tpu.memory_space<vmem>>, vector<16xi32>,
      %get3A_930 = arith.constant 8 : i32
      %get3A_931 = arith.index_cast %select_n3A : i32 to index
      %get3A_932 = arith.index_cast %get3A_930 : i32 to index
      %get3A_933 = arith.index_cast %add3A_889 : i32 to index
      %get3A_934 = tpu.vector_load %arg5[%get3A_931, %get3A_932, %get3A_933] {strides = array<i32>} : memref<10x10x512xi32, #tpu.memory_space<vmem>>, vector<16xi32>,
      %get3A_935 = arith.constant 9 : i32
      %get3A_936 = arith.index_cast %select_n3A : i32 to index
      %get3A_937 = arith.index_cast %get3A_935 : i32 to index
      %get3A_938 = arith.index_cast %add3A_889 : i32 to index
      %get3A_939 = tpu.vector_load %arg5[%get3A_936, %get3A_937, %get3A_938] {strides = array<i32>} : memref<10x10x512xi32, #tpu.memory_space<vmem>>, vector<16xi32>,
      %shift_left3A_940 = arith.constant 2 : i32
      %shift_left3A_941 = vector.broadcast %shift_left3A_940 : i32 to vector<16xi32>
      %shift_left3A_942 = arith.shli %get3A_899, %shift_left3A_941 : vector<16xi32>
      %add3A_943 = arith.addi %get3A_894, %shift_left3A_942 : vector<16xi32>
      %shift_left3A_944 = arith.constant 2 : i32
      %shift_left3A_945 = vector.broadcast %shift_left3A_944 : i32 to vector<16xi32>
      %shift_left3A_946 = arith.shli %get3A_909, %shift_left3A_945 : vector<16xi32>
      %add3A_947 = arith.addi %get3A_904, %shift_left3A_946 : vector<16xi32>
      %shift_left3A_948 = arith.constant 2 : i32
      %shift_left3A_949 = vector.broadcast %shift_left3A_948 : i32 to vector<16xi32>
      %shift_left3A_950 = arith.shli %get3A_919, %shift_left3A_949 : vector<16xi32>
      %add3A_951 = arith.addi %get3A_914, %shift_left3A_950 : vector<16xi32>
      %shift_left3A_952 = arith.constant 2 : i32
      %shift_left3A_953 = vector.broadcast %shift_left3A_952 : i32 to vector<16xi32>
      %shift_left3A_954 = arith.shli %get3A_929, %shift_left3A_953 : vector<16xi32>
      %add3A_955 = arith.addi %get3A_924, %shift_left3A_954 : vector<16xi32>
      %shift_left3A_956 = arith.constant 2 : i32
      %shift_left3A_957 = vector.broadcast %shift_left3A_956 : i32 to vector<16xi32>
      %shift_left3A_958 = arith.shli %get3A_939, %shift_left3A_957 : vector<16xi32>
      %add3A_959 = arith.addi %get3A_934, %shift_left3A_958 : vector<16xi32>
      %shift_left3A_960 = arith.constant 4 : i32
      %shift_left3A_961 = vector.broadcast %shift_left3A_960 : i32 to vector<16xi32>
      %shift_left3A_962 = arith.shli %add3A_947, %shift_left3A_961 : vector<16xi32>
      %add3A_963 = arith.addi %add3A_943, %shift_left3A_962 : vector<16xi32>
      %shift_left3A_964 = arith.constant 4 : i32
      %shift_left3A_965 = vector.broadcast %shift_left3A_964 : i32 to vector<16xi32>
      %shift_left3A_966 = arith.shli %add3A_955, %shift_left3A_965 : vector<16xi32>
      %add3A_967 = arith.addi %add3A_951, %shift_left3A_966 : vector<16xi32>
      %shift_left3A_968 = arith.constant 8 : i32
      %shift_left3A_969 = vector.broadcast %shift_left3A_968 : i32 to vector<16xi32>
      %shift_left3A_970 = arith.shli %add3A_967, %shift_left3A_969 : vector<16xi32>
      %add3A_971 = arith.addi %add3A_963, %shift_left3A_970 : vector<16xi32>
      %shift_left3A_972 = arith.constant 16 : i32
      %shift_left3A_973 = vector.broadcast %shift_left3A_972 : i32 to vector<16xi32>
      %shift_left3A_974 = arith.shli %add3A_959, %shift_left3A_973 : vector<16xi32>
      %add3A_975 = arith.addi %add3A_971, %shift_left3A_974 : vector<16xi32>
      %add3A_976 = arith.constant 80 : i32
      %add3A_977 = arith.addi %add3A_418, %add3A_976 : i32
      %swap3A_978 = arith.index_cast %add3A_977 : i32 to index
      %swap3A_979 = tpu.vector_load %arg6[%swap3A_978] {strides = array<i32>} : memref<5120xi32, #tpu.memory_space<vmem>>, vector<16xi32>,
      tpu.vector_store %arg6[%swap3A_978], %add3A_975 {strides = array<i32>} : memref<5120xi32, #tpu.memory_space<vmem>>, vector<16xi32>,
      %mul3A_980 = arith.constant 128 : i32
      %mul3A_981 = arith.muli %select_n3A_410, %mul3A_980 : i32
      %add3A_982 = arith.constant 96 : i32
      %add3A_983 = arith.addi %mul3A_981, %add3A_982 : i32
      %get3A_984 = arith.constant 0 : i32
      %get3A_985 = arith.index_cast %select_n3A : i32 to index
      %get3A_986 = arith.index_cast %get3A_984 : i32 to index
      %get3A_987 = arith.index_cast %add3A_983 : i32 to index
      %get3A_988 = tpu.vector_load %arg5[%get3A_985, %get3A_986, %get3A_987] {strides = array<i32>} : memref<10x10x512xi32, #tpu.memory_space<vmem>>, vector<16xi32>,
      %get3A_989 = arith.constant 1 : i32
      %get3A_990 = arith.index_cast %select_n3A : i32 to index
      %get3A_991 = arith.index_cast %get3A_989 : i32 to index
      %get3A_992 = arith.index_cast %add3A_983 : i32 to index
      %get3A_993 = tpu.vector_load %arg5[%get3A_990, %get3A_991, %get3A_992] {strides = array<i32>} : memref<10x10x512xi32, #tpu.memory_space<vmem>>, vector<16xi32>,
      %get3A_994 = arith.constant 2 : i32
      %get3A_995 = arith.index_cast %select_n3A : i32 to index
      %get3A_996 = arith.index_cast %get3A_994 : i32 to index
      %get3A_997 = arith.index_cast %add3A_983 : i32 to index
      %get3A_998 = tpu.vector_load %arg5[%get3A_995, %get3A_996, %get3A_997] {strides = array<i32>} : memref<10x10x512xi32, #tpu.memory_space<vmem>>, vector<16xi32>,
      %get3A_999 = arith.constant 3 : i32
      %get3A_1000 = arith.index_cast %select_n3A : i32 to index
      %get3A_1001 = arith.index_cast %get3A_999 : i32 to index
      %get3A_1002 = arith.index_cast %add3A_983 : i32 to index
      %get3A_1003 = tpu.vector_load %arg5[%get3A_1000, %get3A_1001, %get3A_1002] {strides = array<i32>} : memref<10x10x512xi32, #tpu.memory_space<vmem>>, vector<16xi32>,
      %get3A_1004 = arith.constant 4 : i32
      %get3A_1005 = arith.index_cast %select_n3A : i32 to index
      %get3A_1006 = arith.index_cast %get3A_1004 : i32 to index
      %get3A_1007 = arith.index_cast %add3A_983 : i32 to index
      %get3A_1008 = tpu.vector_load %arg5[%get3A_1005, %get3A_1006, %get3A_1007] {strides = array<i32>} : memref<10x10x512xi32, #tpu.memory_space<vmem>>, vector<16xi32>,
      %get3A_1009 = arith.constant 5 : i32
      %get3A_1010 = arith.index_cast %select_n3A : i32 to index
      %get3A_1011 = arith.index_cast %get3A_1009 : i32 to index
      %get3A_1012 = arith.index_cast %add3A_983 : i32 to index
      %get3A_1013 = tpu.vector_load %arg5[%get3A_1010, %get3A_1011, %get3A_1012] {strides = array<i32>} : memref<10x10x512xi32, #tpu.memory_space<vmem>>, vector<16xi32>,
      %get3A_1014 = arith.constant 6 : i32
      %get3A_1015 = arith.index_cast %select_n3A : i32 to index
      %get3A_1016 = arith.index_cast %get3A_1014 : i32 to index
      %get3A_1017 = arith.index_cast %add3A_983 : i32 to index
      %get3A_1018 = tpu.vector_load %arg5[%get3A_1015, %get3A_1016, %get3A_1017] {strides = array<i32>} : memref<10x10x512xi32, #tpu.memory_space<vmem>>, vector<16xi32>,
      %get3A_1019 = arith.constant 7 : i32
      %get3A_1020 = arith.index_cast %select_n3A : i32 to index
      %get3A_1021 = arith.index_cast %get3A_1019 : i32 to index
      %get3A_1022 = arith.index_cast %add3A_983 : i32 to index
      %get3A_1023 = tpu.vector_load %arg5[%get3A_1020, %get3A_1021, %get3A_1022] {strides = array<i32>} : memref<10x10x512xi32, #tpu.memory_space<vmem>>, vector<16xi32>,
      %get3A_1024 = arith.constant 8 : i32
      %get3A_1025 = arith.index_cast %select_n3A : i32 to index
      %get3A_1026 = arith.index_cast %get3A_1024 : i32 to index
      %get3A_1027 = arith.index_cast %add3A_983 : i32 to index
      %get3A_1028 = tpu.vector_load %arg5[%get3A_1025, %get3A_1026, %get3A_1027] {strides = array<i32>} : memref<10x10x512xi32, #tpu.memory_space<vmem>>, vector<16xi32>,
      %get3A_1029 = arith.constant 9 : i32
      %get3A_1030 = arith.index_cast %select_n3A : i32 to index
      %get3A_1031 = arith.index_cast %get3A_1029 : i32 to index
      %get3A_1032 = arith.index_cast %add3A_983 : i32 to index
      %get3A_1033 = tpu.vector_load %arg5[%get3A_1030, %get3A_1031, %get3A_1032] {strides = array<i32>} : memref<10x10x512xi32, #tpu.memory_space<vmem>>, vector<16xi32>,
      %shift_left3A_1034 = arith.constant 2 : i32
      %shift_left3A_1035 = vector.broadcast %shift_left3A_1034 : i32 to vector<16xi32>
      %shift_left3A_1036 = arith.shli %get3A_993, %shift_left3A_1035 : vector<16xi32>
      %add3A_1037 = arith.addi %get3A_988, %shift_left3A_1036 : vector<16xi32>
      %shift_left3A_1038 = arith.constant 2 : i32
      %shift_left3A_1039 = vector.broadcast %shift_left3A_1038 : i32 to vector<16xi32>
      %shift_left3A_1040 = arith.shli %get3A_1003, %shift_left3A_1039 : vector<16xi32>
      %add3A_1041 = arith.addi %get3A_998, %shift_left3A_1040 : vector<16xi32>
      %shift_left3A_1042 = arith.constant 2 : i32
      %shift_left3A_1043 = vector.broadcast %shift_left3A_1042 : i32 to vector<16xi32>
      %shift_left3A_1044 = arith.shli %get3A_1013, %shift_left3A_1043 : vector<16xi32>
      %add3A_1045 = arith.addi %get3A_1008, %shift_left3A_1044 : vector<16xi32>
      %shift_left3A_1046 = arith.constant 2 : i32
      %shift_left3A_1047 = vector.broadcast %shift_left3A_1046 : i32 to vector<16xi32>
      %shift_left3A_1048 = arith.shli %get3A_1023, %shift_left3A_1047 : vector<16xi32>
      %add3A_1049 = arith.addi %get3A_1018, %shift_left3A_1048 : vector<16xi32>
      %shift_left3A_1050 = arith.constant 2 : i32
      %shift_left3A_1051 = vector.broadcast %shift_left3A_1050 : i32 to vector<16xi32>
      %shift_left3A_1052 = arith.shli %get3A_1033, %shift_left3A_1051 : vector<16xi32>
      %add3A_1053 = arith.addi %get3A_1028, %shift_left3A_1052 : vector<16xi32>
      %shift_left3A_1054 = arith.constant 4 : i32
      %shift_left3A_1055 = vector.broadcast %shift_left3A_1054 : i32 to vector<16xi32>
      %shift_left3A_1056 = arith.shli %add3A_1041, %shift_left3A_1055 : vector<16xi32>
      %add3A_1057 = arith.addi %add3A_1037, %shift_left3A_1056 : vector<16xi32>
      %shift_left3A_1058 = arith.constant 4 : i32
      %shift_left3A_1059 = vector.broadcast %shift_left3A_1058 : i32 to vector<16xi32>
      %shift_left3A_1060 = arith.shli %add3A_1049, %shift_left3A_1059 : vector<16xi32>
      %add3A_1061 = arith.addi %add3A_1045, %shift_left3A_1060 : vector<16xi32>
      %shift_left3A_1062 = arith.constant 8 : i32
      %shift_left3A_1063 = vector.broadcast %shift_left3A_1062 : i32 to vector<16xi32>
      %shift_left3A_1064 = arith.shli %add3A_1061, %shift_left3A_1063 : vector<16xi32>
      %add3A_1065 = arith.addi %add3A_1057, %shift_left3A_1064 : vector<16xi32>
      %shift_left3A_1066 = arith.constant 16 : i32
      %shift_left3A_1067 = vector.broadcast %shift_left3A_1066 : i32 to vector<16xi32>
      %shift_left3A_1068 = arith.shli %add3A_1053, %shift_left3A_1067 : vector<16xi32>
      %add3A_1069 = arith.addi %add3A_1065, %shift_left3A_1068 : vector<16xi32>
      %add3A_1070 = arith.constant 96 : i32
      %add3A_1071 = arith.addi %add3A_418, %add3A_1070 : i32
      %swap3A_1072 = arith.index_cast %add3A_1071 : i32 to index
      %swap3A_1073 = tpu.vector_load %arg6[%swap3A_1072] {strides = array<i32>} : memref<5120xi32, #tpu.memory_space<vmem>>, vector<16xi32>,
      tpu.vector_store %arg6[%swap3A_1072], %add3A_1069 {strides = array<i32>} : memref<5120xi32, #tpu.memory_space<vmem>>, vector<16xi32>,
      %mul3A_1074 = arith.constant 128 : i32
      %mul3A_1075 = arith.muli %select_n3A_410, %mul3A_1074 : i32
      %add3A_1076 = arith.constant 112 : i32
      %add3A_1077 = arith.addi %mul3A_1075, %add3A_1076 : i32
      %get3A_1078 = arith.constant 0 : i32
      %get3A_1079 = arith.index_cast %select_n3A : i32 to index
      %get3A_1080 = arith.index_cast %get3A_1078 : i32 to index
      %get3A_1081 = arith.index_cast %add3A_1077 : i32 to index
      %get3A_1082 = tpu.vector_load %arg5[%get3A_1079, %get3A_1080, %get3A_1081] {strides = array<i32>} : memref<10x10x512xi32, #tpu.memory_space<vmem>>, vector<16xi32>,
      %get3A_1083 = arith.constant 1 : i32
      %get3A_1084 = arith.index_cast %select_n3A : i32 to index
      %get3A_1085 = arith.index_cast %get3A_1083 : i32 to index
      %get3A_1086 = arith.index_cast %add3A_1077 : i32 to index
      %get3A_1087 = tpu.vector_load %arg5[%get3A_1084, %get3A_1085, %get3A_1086] {strides = array<i32>} : memref<10x10x512xi32, #tpu.memory_space<vmem>>, vector<16xi32>,
      %get3A_1088 = arith.constant 2 : i32
      %get3A_1089 = arith.index_cast %select_n3A : i32 to index
      %get3A_1090 = arith.index_cast %get3A_1088 : i32 to index
      %get3A_1091 = arith.index_cast %add3A_1077 : i32 to index
      %get3A_1092 = tpu.vector_load %arg5[%get3A_1089, %get3A_1090, %get3A_1091] {strides = array<i32>} : memref<10x10x512xi32, #tpu.memory_space<vmem>>, vector<16xi32>,
      %get3A_1093 = arith.constant 3 : i32
      %get3A_1094 = arith.index_cast %select_n3A : i32 to index
      %get3A_1095 = arith.index_cast %get3A_1093 : i32 to index
      %get3A_1096 = arith.index_cast %add3A_1077 : i32 to index
      %get3A_1097 = tpu.vector_load %arg5[%get3A_1094, %get3A_1095, %get3A_1096] {strides = array<i32>} : memref<10x10x512xi32, #tpu.memory_space<vmem>>, vector<16xi32>,
      %get3A_1098 = arith.constant 4 : i32
      %get3A_1099 = arith.index_cast %select_n3A : i32 to index
      %get3A_1100 = arith.index_cast %get3A_1098 : i32 to index
      %get3A_1101 = arith.index_cast %add3A_1077 : i32 to index
      %get3A_1102 = tpu.vector_load %arg5[%get3A_1099, %get3A_1100, %get3A_1101] {strides = array<i32>} : memref<10x10x512xi32, #tpu.memory_space<vmem>>, vector<16xi32>,
      %get3A_1103 = arith.constant 5 : i32
      %get3A_1104 = arith.index_cast %select_n3A : i32 to index
      %get3A_1105 = arith.index_cast %get3A_1103 : i32 to index
      %get3A_1106 = arith.index_cast %add3A_1077 : i32 to index
      %get3A_1107 = tpu.vector_load %arg5[%get3A_1104, %get3A_1105, %get3A_1106] {strides = array<i32>} : memref<10x10x512xi32, #tpu.memory_space<vmem>>, vector<16xi32>,
      %get3A_1108 = arith.constant 6 : i32
      %get3A_1109 = arith.index_cast %select_n3A : i32 to index
      %get3A_1110 = arith.index_cast %get3A_1108 : i32 to index
      %get3A_1111 = arith.index_cast %add3A_1077 : i32 to index
      %get3A_1112 = tpu.vector_load %arg5[%get3A_1109, %get3A_1110, %get3A_1111] {strides = array<i32>} : memref<10x10x512xi32, #tpu.memory_space<vmem>>, vector<16xi32>,
      %get3A_1113 = arith.constant 7 : i32
      %get3A_1114 = arith.index_cast %select_n3A : i32 to index
      %get3A_1115 = arith.index_cast %get3A_1113 : i32 to index
      %get3A_1116 = arith.index_cast %add3A_1077 : i32 to index
      %get3A_1117 = tpu.vector_load %arg5[%get3A_1114, %get3A_1115, %get3A_1116] {strides = array<i32>} : memref<10x10x512xi32, #tpu.memory_space<vmem>>, vector<16xi32>,
      %get3A_1118 = arith.constant 8 : i32
      %get3A_1119 = arith.index_cast %select_n3A : i32 to index
      %get3A_1120 = arith.index_cast %get3A_1118 : i32 to index
      %get3A_1121 = arith.index_cast %add3A_1077 : i32 to index
      %get3A_1122 = tpu.vector_load %arg5[%get3A_1119, %get3A_1120, %get3A_1121] {strides = array<i32>} : memref<10x10x512xi32, #tpu.memory_space<vmem>>, vector<16xi32>,
      %get3A_1123 = arith.constant 9 : i32
      %get3A_1124 = arith.index_cast %select_n3A : i32 to index
      %get3A_1125 = arith.index_cast %get3A_1123 : i32 to index
      %get3A_1126 = arith.index_cast %add3A_1077 : i32 to index
      %get3A_1127 = tpu.vector_load %arg5[%get3A_1124, %get3A_1125, %get3A_1126] {strides = array<i32>} : memref<10x10x512xi32, #tpu.memory_space<vmem>>, vector<16xi32>,
      %shift_left3A_1128 = arith.constant 2 : i32
      %shift_left3A_1129 = vector.broadcast %shift_left3A_1128 : i32 to vector<16xi32>
      %shift_left3A_1130 = arith.shli %get3A_1087, %shift_left3A_1129 : vector<16xi32>
      %add3A_1131 = arith.addi %get3A_1082, %shift_left3A_1130 : vector<16xi32>
      %shift_left3A_1132 = arith.constant 2 : i32
      %shift_left3A_1133 = vector.broadcast %shift_left3A_1132 : i32 to vector<16xi32>
      %shift_left3A_1134 = arith.shli %get3A_1097, %shift_left3A_1133 : vector<16xi32>
      %add3A_1135 = arith.addi %get3A_1092, %shift_left3A_1134 : vector<16xi32>
      %shift_left3A_1136 = arith.constant 2 : i32
      %shift_left3A_1137 = vector.broadcast %shift_left3A_1136 : i32 to vector<16xi32>
      %shift_left3A_1138 = arith.shli %get3A_1107, %shift_left3A_1137 : vector<16xi32>
      %add3A_1139 = arith.addi %get3A_1102, %shift_left3A_1138 : vector<16xi32>
      %shift_left3A_1140 = arith.constant 2 : i32
      %shift_left3A_1141 = vector.broadcast %shift_left3A_1140 : i32 to vector<16xi32>
      %shift_left3A_1142 = arith.shli %get3A_1117, %shift_left3A_1141 : vector<16xi32>
      %add3A_1143 = arith.addi %get3A_1112, %shift_left3A_1142 : vector<16xi32>
      %shift_left3A_1144 = arith.constant 2 : i32
      %shift_left3A_1145 = vector.broadcast %shift_left3A_1144 : i32 to vector<16xi32>
      %shift_left3A_1146 = arith.shli %get3A_1127, %shift_left3A_1145 : vector<16xi32>
      %add3A_1147 = arith.addi %get3A_1122, %shift_left3A_1146 : vector<16xi32>
      %shift_left3A_1148 = arith.constant 4 : i32
      %shift_left3A_1149 = vector.broadcast %shift_left3A_1148 : i32 to vector<16xi32>
      %shift_left3A_1150 = arith.shli %add3A_1135, %shift_left3A_1149 : vector<16xi32>
      %add3A_1151 = arith.addi %add3A_1131, %shift_left3A_1150 : vector<16xi32>
      %shift_left3A_1152 = arith.constant 4 : i32
      %shift_left3A_1153 = vector.broadcast %shift_left3A_1152 : i32 to vector<16xi32>
      %shift_left3A_1154 = arith.shli %add3A_1143, %shift_left3A_1153 : vector<16xi32>
      %add3A_1155 = arith.addi %add3A_1139, %shift_left3A_1154 : vector<16xi32>
      %shift_left3A_1156 = arith.constant 8 : i32
      %shift_left3A_1157 = vector.broadcast %shift_left3A_1156 : i32 to vector<16xi32>
      %shift_left3A_1158 = arith.shli %add3A_1155, %shift_left3A_1157 : vector<16xi32>
      %add3A_1159 = arith.addi %add3A_1151, %shift_left3A_1158 : vector<16xi32>
      %shift_left3A_1160 = arith.constant 16 : i32
      %shift_left3A_1161 = vector.broadcast %shift_left3A_1160 : i32 to vector<16xi32>
      %shift_left3A_1162 = arith.shli %add3A_1147, %shift_left3A_1161 : vector<16xi32>
      %add3A_1163 = arith.addi %add3A_1159, %shift_left3A_1162 : vector<16xi32>
      %add3A_1164 = arith.constant 112 : i32
      %add3A_1165 = arith.addi %add3A_418, %add3A_1164 : i32
      %swap3A_1166 = arith.index_cast %add3A_1165 : i32 to index
      %swap3A_1167 = tpu.vector_load %arg6[%swap3A_1166] {strides = array<i32>} : memref<5120xi32, #tpu.memory_space<vmem>>, vector<16xi32>,
      tpu.vector_store %arg6[%swap3A_1166], %add3A_1163 {strides = array<i32>} : memref<5120xi32, #tpu.memory_space<vmem>>, vector<16xi32>,
      %dma_start3A_1168 = tpu.memref_slice %arg7[%add3A_418] : memref<5120xf32, #tpu.memory_space<vmem>> -> memref<128xf32, #tpu.memory_space<vmem>>
      %dma_start3A_1169 = tpu.memref_slice %arg6[%add3A_418] : memref<5120xi32, #tpu.memory_space<vmem>> -> memref<128xi32, #tpu.memory_space<vmem>>
      %dma_start3A_1170 = arith.constant 0 : i32
      %dma_start3A_1171 = tpu.memref_slice %arg3[%dma_start3A_1170] : memref<1048576xf32, #tpu.memory_space<hbm>> -> memref<1048576xf32, #tpu.memory_space<hbm>>
      tpu.enqueue_indirect_dma source(%dma_start3A_1171 : memref<1048576xf32, #tpu.memory_space<hbm>>) target(%dma_start3A_1168 : memref<128xf32, #tpu.memory_space<vmem>>) offsets(%dma_start3A_1169 : memref<128xi32, #tpu.memory_space<vmem>>) semaphore(%arg9 : memref<!tpu.dma_semaphore, #tpu.memory_space<semaphore_mem>>)
    }
    %scan3A_196 = arith.constant 40 : i32
    %dma_wait3A = arith.constant 0 : i32
    %dma_wait3A_197 = tpu.memref_slice %arg3[%dma_wait3A] : memref<1048576xf32, #tpu.memory_space<hbm>> -> memref<5120xf32, #tpu.memory_space<hbm>>
    %dma_wait3A_198 = arith.constant 0 : i32
    %dma_wait3A_199 = tpu.memref_slice %arg3[%dma_wait3A_198] : memref<1048576xf32, #tpu.memory_space<hbm>> -> memref<5120xf32, #tpu.memory_space<hbm>>
    tpu.wait_dma2 semaphore(%arg9 : memref<!tpu.dma_semaphore, #tpu.memory_space<semaphore_mem>>) src(%dma_wait3A_199 : memref<5120xf32, #tpu.memory_space<hbm>>) dst(%arg7 : memref<5120xf32, #tpu.memory_space<vmem>>)
    %dma_start3A_200 = arith.constant 0 : i32
    %dma_start3A_201 = arith.constant 0 : i32
    %dma_start3A_202 = tpu.memref_slice %arg7[%dma_start3A_201] : memref<5120xf32, #tpu.memory_space<vmem>> -> memref<512xf32, #tpu.memory_space<vmem>>
    %dma_start3A_203 = tpu.memref_slice %arg4[%dma_start3A_200, %mul3A_2] : memref<10x16384xf32, #tpu.memory_space<hbm>> -> memref<1x512xf32, #tpu.memory_space<hbm>>
    %dma_start3A_204 = tpu.memref_squeeze %dma_start3A_203 : memref<1x512xf32, #tpu.memory_space<hbm>> -> memref<512xf32, #tpu.memory_space<hbm>>
    %dma_start3A_205 = tpu.memref_slice %arg4[%dma_start3A_200, %mul3A_2] : memref<10x16384xf32, #tpu.memory_space<hbm>> -> memref<1x512xf32, #tpu.memory_space<hbm>>
    %dma_start3A_206 = tpu.memref_squeeze %dma_start3A_205 : memref<1x512xf32, #tpu.memory_space<hbm>> -> memref<512xf32, #tpu.memory_space<hbm>>
    %dma_start3A_207 = arith.constant 0 : i32
    %dma_start3A_208 = tpu.memref_slice %arg7[%dma_start3A_207] : memref<5120xf32, #tpu.memory_space<vmem>> -> memref<512xf32, #tpu.memory_space<vmem>>
    tpu.enqueue_dma source(%dma_start3A_208 : memref<512xf32, #tpu.memory_space<vmem>>) target(%dma_start3A_206 : memref<512xf32, #tpu.memory_space<hbm>>) target_semaphore(%arg10 : memref<!tpu.dma_semaphore, #tpu.memory_space<semaphore_mem>>)
    %dma_start3A_209 = arith.constant 1 : i32
    %dma_start3A_210 = arith.constant 512 : i32
    %dma_start3A_211 = tpu.memref_slice %arg7[%dma_start3A_210] : memref<5120xf32, #tpu.memory_space<vmem>> -> memref<512xf32, #tpu.memory_space<vmem>>
    %dma_start3A_212 = tpu.memref_slice %arg4[%dma_start3A_209, %mul3A_2] : memref<10x16384xf32, #tpu.memory_space<hbm>> -> memref<1x512xf32, #tpu.memory_space<hbm>>
    %dma_start3A_213 = tpu.memref_squeeze %dma_start3A_212 : memref<1x512xf32, #tpu.memory_space<hbm>> -> memref<512xf32, #tpu.memory_space<hbm>>
    %dma_start3A_214 = tpu.memref_slice %arg4[%dma_start3A_209, %mul3A_2] : memref<10x16384xf32, #tpu.memory_space<hbm>> -> memref<1x512xf32, #tpu.memory_space<hbm>>
    %dma_start3A_215 = tpu.memref_squeeze %dma_start3A_214 : memref<1x512xf32, #tpu.memory_space<hbm>> -> memref<512xf32, #tpu.memory_space<hbm>>
    %dma_start3A_216 = arith.constant 512 : i32
    %dma_start3A_217 = tpu.memref_slice %arg7[%dma_start3A_216] : memref<5120xf32, #tpu.memory_space<vmem>> -> memref<512xf32, #tpu.memory_space<vmem>>
    tpu.enqueue_dma source(%dma_start3A_217 : memref<512xf32, #tpu.memory_space<vmem>>) target(%dma_start3A_215 : memref<512xf32, #tpu.memory_space<hbm>>) target_semaphore(%arg10 : memref<!tpu.dma_semaphore, #tpu.memory_space<semaphore_mem>>)
    %dma_start3A_218 = arith.constant 2 : i32
    %dma_start3A_219 = arith.constant 1024 : i32
    %dma_start3A_220 = tpu.memref_slice %arg7[%dma_start3A_219] : memref<5120xf32, #tpu.memory_space<vmem>> -> memref<512xf32, #tpu.memory_space<vmem>>
    %dma_start3A_221 = tpu.memref_slice %arg4[%dma_start3A_218, %mul3A_2] : memref<10x16384xf32, #tpu.memory_space<hbm>> -> memref<1x512xf32, #tpu.memory_space<hbm>>
    %dma_start3A_222 = tpu.memref_squeeze %dma_start3A_221 : memref<1x512xf32, #tpu.memory_space<hbm>> -> memref<512xf32, #tpu.memory_space<hbm>>
    %dma_start3A_223 = tpu.memref_slice %arg4[%dma_start3A_218, %mul3A_2] : memref<10x16384xf32, #tpu.memory_space<hbm>> -> memref<1x512xf32, #tpu.memory_space<hbm>>
    %dma_start3A_224 = tpu.memref_squeeze %dma_start3A_223 : memref<1x512xf32, #tpu.memory_space<hbm>> -> memref<512xf32, #tpu.memory_space<hbm>>
    %dma_start3A_225 = arith.constant 1024 : i32
    %dma_start3A_226 = tpu.memref_slice %arg7[%dma_start3A_225] : memref<5120xf32, #tpu.memory_space<vmem>> -> memref<512xf32, #tpu.memory_space<vmem>>
    tpu.enqueue_dma source(%dma_start3A_226 : memref<512xf32, #tpu.memory_space<vmem>>) target(%dma_start3A_224 : memref<512xf32, #tpu.memory_space<hbm>>) target_semaphore(%arg10 : memref<!tpu.dma_semaphore, #tpu.memory_space<semaphore_mem>>)
    %dma_start3A_227 = arith.constant 3 : i32
    %dma_start3A_228 = arith.constant 1536 : i32
    %dma_start3A_229 = tpu.memref_slice %arg7[%dma_start3A_228] : memref<5120xf32, #tpu.memory_space<vmem>> -> memref<512xf32, #tpu.memory_space<vmem>>
    %dma_start3A_230 = tpu.memref_slice %arg4[%dma_start3A_227, %mul3A_2] : memref<10x16384xf32, #tpu.memory_space<hbm>> -> memref<1x512xf32, #tpu.memory_space<hbm>>
    %dma_start3A_231 = tpu.memref_squeeze %dma_start3A_230 : memref<1x512xf32, #tpu.memory_space<hbm>> -> memref<512xf32, #tpu.memory_space<hbm>>
    %dma_start3A_232 = tpu.memref_slice %arg4[%dma_start3A_227, %mul3A_2] : memref<10x16384xf32, #tpu.memory_space<hbm>> -> memref<1x512xf32, #tpu.memory_space<hbm>>
    %dma_start3A_233 = tpu.memref_squeeze %dma_start3A_232 : memref<1x512xf32, #tpu.memory_space<hbm>> -> memref<512xf32, #tpu.memory_space<hbm>>
    %dma_start3A_234 = arith.constant 1536 : i32
    %dma_start3A_235 = tpu.memref_slice %arg7[%dma_start3A_234] : memref<5120xf32, #tpu.memory_space<vmem>> -> memref<512xf32, #tpu.memory_space<vmem>>
    tpu.enqueue_dma source(%dma_start3A_235 : memref<512xf32, #tpu.memory_space<vmem>>) target(%dma_start3A_233 : memref<512xf32, #tpu.memory_space<hbm>>) target_semaphore(%arg10 : memref<!tpu.dma_semaphore, #tpu.memory_space<semaphore_mem>>)
    %dma_start3A_236 = arith.constant 4 : i32
    %dma_start3A_237 = arith.constant 2048 : i32
    %dma_start3A_238 = tpu.memref_slice %arg7[%dma_start3A_237] : memref<5120xf32, #tpu.memory_space<vmem>> -> memref<512xf32, #tpu.memory_space<vmem>>
    %dma_start3A_239 = tpu.memref_slice %arg4[%dma_start3A_236, %mul3A_2] : memref<10x16384xf32, #tpu.memory_space<hbm>> -> memref<1x512xf32, #tpu.memory_space<hbm>>
    %dma_start3A_240 = tpu.memref_squeeze %dma_start3A_239 : memref<1x512xf32, #tpu.memory_space<hbm>> -> memref<512xf32, #tpu.memory_space<hbm>>
    %dma_start3A_241 = tpu.memref_slice %arg4[%dma_start3A_236, %mul3A_2] : memref<10x16384xf32, #tpu.memory_space<hbm>> -> memref<1x512xf32, #tpu.memory_space<hbm>>
    %dma_start3A_242 = tpu.memref_squeeze %dma_start3A_241 : memref<1x512xf32, #tpu.memory_space<hbm>> -> memref<512xf32, #tpu.memory_space<hbm>>
    %dma_start3A_243 = arith.constant 2048 : i32
    %dma_start3A_244 = tpu.memref_slice %arg7[%dma_start3A_243] : memref<5120xf32, #tpu.memory_space<vmem>> -> memref<512xf32, #tpu.memory_space<vmem>>
    tpu.enqueue_dma source(%dma_start3A_244 : memref<512xf32, #tpu.memory_space<vmem>>) target(%dma_start3A_242 : memref<512xf32, #tpu.memory_space<hbm>>) target_semaphore(%arg10 : memref<!tpu.dma_semaphore, #tpu.memory_space<semaphore_mem>>)
    %dma_start3A_245 = arith.constant 5 : i32
    %dma_start3A_246 = arith.constant 2560 : i32
    %dma_start3A_247 = tpu.memref_slice %arg7[%dma_start3A_246] : memref<5120xf32, #tpu.memory_space<vmem>> -> memref<512xf32, #tpu.memory_space<vmem>>
    %dma_start3A_248 = tpu.memref_slice %arg4[%dma_start3A_245, %mul3A_2] : memref<10x16384xf32, #tpu.memory_space<hbm>> -> memref<1x512xf32, #tpu.memory_space<hbm>>
    %dma_start3A_249 = tpu.memref_squeeze %dma_start3A_248 : memref<1x512xf32, #tpu.memory_space<hbm>> -> memref<512xf32, #tpu.memory_space<hbm>>
    %dma_start3A_250 = tpu.memref_slice %arg4[%dma_start3A_245, %mul3A_2] : memref<10x16384xf32, #tpu.memory_space<hbm>> -> memref<1x512xf32, #tpu.memory_space<hbm>>
    %dma_start3A_251 = tpu.memref_squeeze %dma_start3A_250 : memref<1x512xf32, #tpu.memory_space<hbm>> -> memref<512xf32, #tpu.memory_space<hbm>>
    %dma_start3A_252 = arith.constant 2560 : i32
    %dma_start3A_253 = tpu.memref_slice %arg7[%dma_start3A_252] : memref<5120xf32, #tpu.memory_space<vmem>> -> memref<512xf32, #tpu.memory_space<vmem>>
    tpu.enqueue_dma source(%dma_start3A_253 : memref<512xf32, #tpu.memory_space<vmem>>) target(%dma_start3A_251 : memref<512xf32, #tpu.memory_space<hbm>>) target_semaphore(%arg10 : memref<!tpu.dma_semaphore, #tpu.memory_space<semaphore_mem>>)
    %dma_start3A_254 = arith.constant 6 : i32
    %dma_start3A_255 = arith.constant 3072 : i32
    %dma_start3A_256 = tpu.memref_slice %arg7[%dma_start3A_255] : memref<5120xf32, #tpu.memory_space<vmem>> -> memref<512xf32, #tpu.memory_space<vmem>>
    %dma_start3A_257 = tpu.memref_slice %arg4[%dma_start3A_254, %mul3A_2] : memref<10x16384xf32, #tpu.memory_space<hbm>> -> memref<1x512xf32, #tpu.memory_space<hbm>>
    %dma_start3A_258 = tpu.memref_squeeze %dma_start3A_257 : memref<1x512xf32, #tpu.memory_space<hbm>> -> memref<512xf32, #tpu.memory_space<hbm>>
    %dma_start3A_259 = tpu.memref_slice %arg4[%dma_start3A_254, %mul3A_2] : memref<10x16384xf32, #tpu.memory_space<hbm>> -> memref<1x512xf32, #tpu.memory_space<hbm>>
    %dma_start3A_260 = tpu.memref_squeeze %dma_start3A_259 : memref<1x512xf32, #tpu.memory_space<hbm>> -> memref<512xf32, #tpu.memory_space<hbm>>
    %dma_start3A_261 = arith.constant 3072 : i32
    %dma_start3A_262 = tpu.memref_slice %arg7[%dma_start3A_261] : memref<5120xf32, #tpu.memory_space<vmem>> -> memref<512xf32, #tpu.memory_space<vmem>>
    tpu.enqueue_dma source(%dma_start3A_262 : memref<512xf32, #tpu.memory_space<vmem>>) target(%dma_start3A_260 : memref<512xf32, #tpu.memory_space<hbm>>) target_semaphore(%arg10 : memref<!tpu.dma_semaphore, #tpu.memory_space<semaphore_mem>>)
    %dma_start3A_263 = arith.constant 7 : i32
    %dma_start3A_264 = arith.constant 3584 : i32
    %dma_start3A_265 = tpu.memref_slice %arg7[%dma_start3A_264] : memref<5120xf32, #tpu.memory_space<vmem>> -> memref<512xf32, #tpu.memory_space<vmem>>
    %dma_start3A_266 = tpu.memref_slice %arg4[%dma_start3A_263, %mul3A_2] : memref<10x16384xf32, #tpu.memory_space<hbm>> -> memref<1x512xf32, #tpu.memory_space<hbm>>
    %dma_start3A_267 = tpu.memref_squeeze %dma_start3A_266 : memref<1x512xf32, #tpu.memory_space<hbm>> -> memref<512xf32, #tpu.memory_space<hbm>>
    %dma_start3A_268 = tpu.memref_slice %arg4[%dma_start3A_263, %mul3A_2] : memref<10x16384xf32, #tpu.memory_space<hbm>> -> memref<1x512xf32, #tpu.memory_space<hbm>>
    %dma_start3A_269 = tpu.memref_squeeze %dma_start3A_268 : memref<1x512xf32, #tpu.memory_space<hbm>> -> memref<512xf32, #tpu.memory_space<hbm>>
    %dma_start3A_270 = arith.constant 3584 : i32
    %dma_start3A_271 = tpu.memref_slice %arg7[%dma_start3A_270] : memref<5120xf32, #tpu.memory_space<vmem>> -> memref<512xf32, #tpu.memory_space<vmem>>
    tpu.enqueue_dma source(%dma_start3A_271 : memref<512xf32, #tpu.memory_space<vmem>>) target(%dma_start3A_269 : memref<512xf32, #tpu.memory_space<hbm>>) target_semaphore(%arg10 : memref<!tpu.dma_semaphore, #tpu.memory_space<semaphore_mem>>)
    %dma_start3A_272 = arith.constant 8 : i32
    %dma_start3A_273 = arith.constant 4096 : i32
    %dma_start3A_274 = tpu.memref_slice %arg7[%dma_start3A_273] : memref<5120xf32, #tpu.memory_space<vmem>> -> memref<512xf32, #tpu.memory_space<vmem>>
    %dma_start3A_275 = tpu.memref_slice %arg4[%dma_start3A_272, %mul3A_2] : memref<10x16384xf32, #tpu.memory_space<hbm>> -> memref<1x512xf32, #tpu.memory_space<hbm>>
    %dma_start3A_276 = tpu.memref_squeeze %dma_start3A_275 : memref<1x512xf32, #tpu.memory_space<hbm>> -> memref<512xf32, #tpu.memory_space<hbm>>
    %dma_start3A_277 = tpu.memref_slice %arg4[%dma_start3A_272, %mul3A_2] : memref<10x16384xf32, #tpu.memory_space<hbm>> -> memref<1x512xf32, #tpu.memory_space<hbm>>
    %dma_start3A_278 = tpu.memref_squeeze %dma_start3A_277 : memref<1x512xf32, #tpu.memory_space<hbm>> -> memref<512xf32, #tpu.memory_space<hbm>>
    %dma_start3A_279 = arith.constant 4096 : i32
    %dma_start3A_280 = tpu.memref_slice %arg7[%dma_start3A_279] : memref<5120xf32, #tpu.memory_space<vmem>> -> memref<512xf32, #tpu.memory_space<vmem>>
    tpu.enqueue_dma source(%dma_start3A_280 : memref<512xf32, #tpu.memory_space<vmem>>) target(%dma_start3A_278 : memref<512xf32, #tpu.memory_space<hbm>>) target_semaphore(%arg10 : memref<!tpu.dma_semaphore, #tpu.memory_space<semaphore_mem>>)
    %dma_start3A_281 = arith.constant 9 : i32
    %dma_start3A_282 = arith.constant 4608 : i32
    %dma_start3A_283 = tpu.memref_slice %arg7[%dma_start3A_282] : memref<5120xf32, #tpu.memory_space<vmem>> -> memref<512xf32, #tpu.memory_space<vmem>>
    %dma_start3A_284 = tpu.memref_slice %arg4[%dma_start3A_281, %mul3A_2] : memref<10x16384xf32, #tpu.memory_space<hbm>> -> memref<1x512xf32, #tpu.memory_space<hbm>>
    %dma_start3A_285 = tpu.memref_squeeze %dma_start3A_284 : memref<1x512xf32, #tpu.memory_space<hbm>> -> memref<512xf32, #tpu.memory_space<hbm>>
    %dma_start3A_286 = tpu.memref_slice %arg4[%dma_start3A_281, %mul3A_2] : memref<10x16384xf32, #tpu.memory_space<hbm>> -> memref<1x512xf32, #tpu.memory_space<hbm>>
    %dma_start3A_287 = tpu.memref_squeeze %dma_start3A_286 : memref<1x512xf32, #tpu.memory_space<hbm>> -> memref<512xf32, #tpu.memory_space<hbm>>
    %dma_start3A_288 = arith.constant 4608 : i32
    %dma_start3A_289 = tpu.memref_slice %arg7[%dma_start3A_288] : memref<5120xf32, #tpu.memory_space<vmem>> -> memref<512xf32, #tpu.memory_space<vmem>>
    tpu.enqueue_dma source(%dma_start3A_289 : memref<512xf32, #tpu.memory_space<vmem>>) target(%dma_start3A_287 : memref<512xf32, #tpu.memory_space<hbm>>) target_semaphore(%arg10 : memref<!tpu.dma_semaphore, #tpu.memory_space<semaphore_mem>>)
    %dma_wait3A_290 = arith.constant 0 : i32
    %dma_wait3A_291 = arith.constant 0 : i32
    %dma_wait3A_292 = tpu.memref_slice %arg7[%dma_wait3A_291] : memref<5120xf32, #tpu.memory_space<vmem>> -> memref<512xf32, #tpu.memory_space<vmem>>
    %dma_wait3A_293 = tpu.memref_slice %arg4[%dma_wait3A_290, %mul3A_2] : memref<10x16384xf32, #tpu.memory_space<hbm>> -> memref<1x512xf32, #tpu.memory_space<hbm>>
    %dma_wait3A_294 = tpu.memref_squeeze %dma_wait3A_293 : memref<1x512xf32, #tpu.memory_space<hbm>> -> memref<512xf32, #tpu.memory_space<hbm>>
    %dma_wait3A_295 = tpu.memref_slice %arg4[%dma_wait3A_290, %mul3A_2] : memref<10x16384xf32, #tpu.memory_space<hbm>> -> memref<1x512xf32, #tpu.memory_space<hbm>>
    %dma_wait3A_296 = tpu.memref_squeeze %dma_wait3A_295 : memref<1x512xf32, #tpu.memory_space<hbm>> -> memref<512xf32, #tpu.memory_space<hbm>>
    %dma_wait3A_297 = arith.constant 0 : i32
    %dma_wait3A_298 = tpu.memref_slice %arg7[%dma_wait3A_297] : memref<5120xf32, #tpu.memory_space<vmem>> -> memref<512xf32, #tpu.memory_space<vmem>>
    tpu.wait_dma2 semaphore(%arg10 : memref<!tpu.dma_semaphore, #tpu.memory_space<semaphore_mem>>) src(%dma_wait3A_298 : memref<512xf32, #tpu.memory_space<vmem>>) dst(%dma_wait3A_296 : memref<512xf32, #tpu.memory_space<hbm>>)
    %dma_wait3A_299 = arith.constant 1 : i32
    %dma_wait3A_300 = arith.constant 512 : i32
    %dma_wait3A_301 = tpu.memref_slice %arg7[%dma_wait3A_300] : memref<5120xf32, #tpu.memory_space<vmem>> -> memref<512xf32, #tpu.memory_space<vmem>>
    %dma_wait3A_302 = tpu.memref_slice %arg4[%dma_wait3A_299, %mul3A_2] : memref<10x16384xf32, #tpu.memory_space<hbm>> -> memref<1x512xf32, #tpu.memory_space<hbm>>
    %dma_wait3A_303 = tpu.memref_squeeze %dma_wait3A_302 : memref<1x512xf32, #tpu.memory_space<hbm>> -> memref<512xf32, #tpu.memory_space<hbm>>
    %dma_wait3A_304 = tpu.memref_slice %arg4[%dma_wait3A_299, %mul3A_2] : memref<10x16384xf32, #tpu.memory_space<hbm>> -> memref<1x512xf32, #tpu.memory_space<hbm>>
    %dma_wait3A_305 = tpu.memref_squeeze %dma_wait3A_304 : memref<1x512xf32, #tpu.memory_space<hbm>> -> memref<512xf32, #tpu.memory_space<hbm>>
    %dma_wait3A_306 = arith.constant 512 : i32
    %dma_wait3A_307 = tpu.memref_slice %arg7[%dma_wait3A_306] : memref<5120xf32, #tpu.memory_space<vmem>> -> memref<512xf32, #tpu.memory_space<vmem>>
    tpu.wait_dma2 semaphore(%arg10 : memref<!tpu.dma_semaphore, #tpu.memory_space<semaphore_mem>>) src(%dma_wait3A_307 : memref<512xf32, #tpu.memory_space<vmem>>) dst(%dma_wait3A_305 : memref<512xf32, #tpu.memory_space<hbm>>)
    %dma_wait3A_308 = arith.constant 2 : i32
    %dma_wait3A_309 = arith.constant 1024 : i32
    %dma_wait3A_310 = tpu.memref_slice %arg7[%dma_wait3A_309] : memref<5120xf32, #tpu.memory_space<vmem>> -> memref<512xf32, #tpu.memory_space<vmem>>
    %dma_wait3A_311 = tpu.memref_slice %arg4[%dma_wait3A_308, %mul3A_2] : memref<10x16384xf32, #tpu.memory_space<hbm>> -> memref<1x512xf32, #tpu.memory_space<hbm>>
    %dma_wait3A_312 = tpu.memref_squeeze %dma_wait3A_311 : memref<1x512xf32, #tpu.memory_space<hbm>> -> memref<512xf32, #tpu.memory_space<hbm>>
    %dma_wait3A_313 = tpu.memref_slice %arg4[%dma_wait3A_308, %mul3A_2] : memref<10x16384xf32, #tpu.memory_space<hbm>> -> memref<1x512xf32, #tpu.memory_space<hbm>>
    %dma_wait3A_314 = tpu.memref_squeeze %dma_wait3A_313 : memref<1x512xf32, #tpu.memory_space<hbm>> -> memref<512xf32, #tpu.memory_space<hbm>>
    %dma_wait3A_315 = arith.constant 1024 : i32
    %dma_wait3A_316 = tpu.memref_slice %arg7[%dma_wait3A_315] : memref<5120xf32, #tpu.memory_space<vmem>> -> memref<512xf32, #tpu.memory_space<vmem>>
    tpu.wait_dma2 semaphore(%arg10 : memref<!tpu.dma_semaphore, #tpu.memory_space<semaphore_mem>>) src(%dma_wait3A_316 : memref<512xf32, #tpu.memory_space<vmem>>) dst(%dma_wait3A_314 : memref<512xf32, #tpu.memory_space<hbm>>)
    %dma_wait3A_317 = arith.constant 3 : i32
    %dma_wait3A_318 = arith.constant 1536 : i32
    %dma_wait3A_319 = tpu.memref_slice %arg7[%dma_wait3A_318] : memref<5120xf32, #tpu.memory_space<vmem>> -> memref<512xf32, #tpu.memory_space<vmem>>
    %dma_wait3A_320 = tpu.memref_slice %arg4[%dma_wait3A_317, %mul3A_2] : memref<10x16384xf32, #tpu.memory_space<hbm>> -> memref<1x512xf32, #tpu.memory_space<hbm>>
    %dma_wait3A_321 = tpu.memref_squeeze %dma_wait3A_320 : memref<1x512xf32, #tpu.memory_space<hbm>> -> memref<512xf32, #tpu.memory_space<hbm>>
    %dma_wait3A_322 = tpu.memref_slice %arg4[%dma_wait3A_317, %mul3A_2] : memref<10x16384xf32, #tpu.memory_space<hbm>> -> memref<1x512xf32, #tpu.memory_space<hbm>>
    %dma_wait3A_323 = tpu.memref_squeeze %dma_wait3A_322 : memref<1x512xf32, #tpu.memory_space<hbm>> -> memref<512xf32, #tpu.memory_space<hbm>>
    %dma_wait3A_324 = arith.constant 1536 : i32
    %dma_wait3A_325 = tpu.memref_slice %arg7[%dma_wait3A_324] : memref<5120xf32, #tpu.memory_space<vmem>> -> memref<512xf32, #tpu.memory_space<vmem>>
    tpu.wait_dma2 semaphore(%arg10 : memref<!tpu.dma_semaphore, #tpu.memory_space<semaphore_mem>>) src(%dma_wait3A_325 : memref<512xf32, #tpu.memory_space<vmem>>) dst(%dma_wait3A_323 : memref<512xf32, #tpu.memory_space<hbm>>)
    %dma_wait3A_326 = arith.constant 4 : i32
    %dma_wait3A_327 = arith.constant 2048 : i32
    %dma_wait3A_328 = tpu.memref_slice %arg7[%dma_wait3A_327] : memref<5120xf32, #tpu.memory_space<vmem>> -> memref<512xf32, #tpu.memory_space<vmem>>
    %dma_wait3A_329 = tpu.memref_slice %arg4[%dma_wait3A_326, %mul3A_2] : memref<10x16384xf32, #tpu.memory_space<hbm>> -> memref<1x512xf32, #tpu.memory_space<hbm>>
    %dma_wait3A_330 = tpu.memref_squeeze %dma_wait3A_329 : memref<1x512xf32, #tpu.memory_space<hbm>> -> memref<512xf32, #tpu.memory_space<hbm>>
    %dma_wait3A_331 = tpu.memref_slice %arg4[%dma_wait3A_326, %mul3A_2] : memref<10x16384xf32, #tpu.memory_space<hbm>> -> memref<1x512xf32, #tpu.memory_space<hbm>>
    %dma_wait3A_332 = tpu.memref_squeeze %dma_wait3A_331 : memref<1x512xf32, #tpu.memory_space<hbm>> -> memref<512xf32, #tpu.memory_space<hbm>>
    %dma_wait3A_333 = arith.constant 2048 : i32
    %dma_wait3A_334 = tpu.memref_slice %arg7[%dma_wait3A_333] : memref<5120xf32, #tpu.memory_space<vmem>> -> memref<512xf32, #tpu.memory_space<vmem>>
    tpu.wait_dma2 semaphore(%arg10 : memref<!tpu.dma_semaphore, #tpu.memory_space<semaphore_mem>>) src(%dma_wait3A_334 : memref<512xf32, #tpu.memory_space<vmem>>) dst(%dma_wait3A_332 : memref<512xf32, #tpu.memory_space<hbm>>)
    %dma_wait3A_335 = arith.constant 5 : i32
    %dma_wait3A_336 = arith.constant 2560 : i32
    %dma_wait3A_337 = tpu.memref_slice %arg7[%dma_wait3A_336] : memref<5120xf32, #tpu.memory_space<vmem>> -> memref<512xf32, #tpu.memory_space<vmem>>
    %dma_wait3A_338 = tpu.memref_slice %arg4[%dma_wait3A_335, %mul3A_2] : memref<10x16384xf32, #tpu.memory_space<hbm>> -> memref<1x512xf32, #tpu.memory_space<hbm>>
    %dma_wait3A_339 = tpu.memref_squeeze %dma_wait3A_338 : memref<1x512xf32, #tpu.memory_space<hbm>> -> memref<512xf32, #tpu.memory_space<hbm>>
    %dma_wait3A_340 = tpu.memref_slice %arg4[%dma_wait3A_335, %mul3A_2] : memref<10x16384xf32, #tpu.memory_space<hbm>> -> memref<1x512xf32, #tpu.memory_space<hbm>>
    %dma_wait3A_341 = tpu.memref_squeeze %dma_wait3A_340 : memref<1x512xf32, #tpu.memory_space<hbm>> -> memref<512xf32, #tpu.memory_space<hbm>>
    %dma_wait3A_342 = arith.constant 2560 : i32
    %dma_wait3A_343 = tpu.memref_slice %arg7[%dma_wait3A_342] : memref<5120xf32, #tpu.memory_space<vmem>> -> memref<512xf32, #tpu.memory_space<vmem>>
    tpu.wait_dma2 semaphore(%arg10 : memref<!tpu.dma_semaphore, #tpu.memory_space<semaphore_mem>>) src(%dma_wait3A_343 : memref<512xf32, #tpu.memory_space<vmem>>) dst(%dma_wait3A_341 : memref<512xf32, #tpu.memory_space<hbm>>)
    %dma_wait3A_344 = arith.constant 6 : i32
    %dma_wait3A_345 = arith.constant 3072 : i32
    %dma_wait3A_346 = tpu.memref_slice %arg7[%dma_wait3A_345] : memref<5120xf32, #tpu.memory_space<vmem>> -> memref<512xf32, #tpu.memory_space<vmem>>
    %dma_wait3A_347 = tpu.memref_slice %arg4[%dma_wait3A_344, %mul3A_2] : memref<10x16384xf32, #tpu.memory_space<hbm>> -> memref<1x512xf32, #tpu.memory_space<hbm>>
    %dma_wait3A_348 = tpu.memref_squeeze %dma_wait3A_347 : memref<1x512xf32, #tpu.memory_space<hbm>> -> memref<512xf32, #tpu.memory_space<hbm>>
    %dma_wait3A_349 = tpu.memref_slice %arg4[%dma_wait3A_344, %mul3A_2] : memref<10x16384xf32, #tpu.memory_space<hbm>> -> memref<1x512xf32, #tpu.memory_space<hbm>>
    %dma_wait3A_350 = tpu.memref_squeeze %dma_wait3A_349 : memref<1x512xf32, #tpu.memory_space<hbm>> -> memref<512xf32, #tpu.memory_space<hbm>>
    %dma_wait3A_351 = arith.constant 3072 : i32
    %dma_wait3A_352 = tpu.memref_slice %arg7[%dma_wait3A_351] : memref<5120xf32, #tpu.memory_space<vmem>> -> memref<512xf32, #tpu.memory_space<vmem>>
    tpu.wait_dma2 semaphore(%arg10 : memref<!tpu.dma_semaphore, #tpu.memory_space<semaphore_mem>>) src(%dma_wait3A_352 : memref<512xf32, #tpu.memory_space<vmem>>) dst(%dma_wait3A_350 : memref<512xf32, #tpu.memory_space<hbm>>)
    %dma_wait3A_353 = arith.constant 7 : i32
    %dma_wait3A_354 = arith.constant 3584 : i32
    %dma_wait3A_355 = tpu.memref_slice %arg7[%dma_wait3A_354] : memref<5120xf32, #tpu.memory_space<vmem>> -> memref<512xf32, #tpu.memory_space<vmem>>
    %dma_wait3A_356 = tpu.memref_slice %arg4[%dma_wait3A_353, %mul3A_2] : memref<10x16384xf32, #tpu.memory_space<hbm>> -> memref<1x512xf32, #tpu.memory_space<hbm>>
    %dma_wait3A_357 = tpu.memref_squeeze %dma_wait3A_356 : memref<1x512xf32, #tpu.memory_space<hbm>> -> memref<512xf32, #tpu.memory_space<hbm>>
    %dma_wait3A_358 = tpu.memref_slice %arg4[%dma_wait3A_353, %mul3A_2] : memref<10x16384xf32, #tpu.memory_space<hbm>> -> memref<1x512xf32, #tpu.memory_space<hbm>>
    %dma_wait3A_359 = tpu.memref_squeeze %dma_wait3A_358 : memref<1x512xf32, #tpu.memory_space<hbm>> -> memref<512xf32, #tpu.memory_space<hbm>>
    %dma_wait3A_360 = arith.constant 3584 : i32
    %dma_wait3A_361 = tpu.memref_slice %arg7[%dma_wait3A_360] : memref<5120xf32, #tpu.memory_space<vmem>> -> memref<512xf32, #tpu.memory_space<vmem>>
    tpu.wait_dma2 semaphore(%arg10 : memref<!tpu.dma_semaphore, #tpu.memory_space<semaphore_mem>>) src(%dma_wait3A_361 : memref<512xf32, #tpu.memory_space<vmem>>) dst(%dma_wait3A_359 : memref<512xf32, #tpu.memory_space<hbm>>)
    %dma_wait3A_362 = arith.constant 8 : i32
    %dma_wait3A_363 = arith.constant 4096 : i32
    %dma_wait3A_364 = tpu.memref_slice %arg7[%dma_wait3A_363] : memref<5120xf32, #tpu.memory_space<vmem>> -> memref<512xf32, #tpu.memory_space<vmem>>
    %dma_wait3A_365 = tpu.memref_slice %arg4[%dma_wait3A_362, %mul3A_2] : memref<10x16384xf32, #tpu.memory_space<hbm>> -> memref<1x512xf32, #tpu.memory_space<hbm>>
    %dma_wait3A_366 = tpu.memref_squeeze %dma_wait3A_365 : memref<1x512xf32, #tpu.memory_space<hbm>> -> memref<512xf32, #tpu.memory_space<hbm>>
    %dma_wait3A_367 = tpu.memref_slice %arg4[%dma_wait3A_362, %mul3A_2] : memref<10x16384xf32, #tpu.memory_space<hbm>> -> memref<1x512xf32, #tpu.memory_space<hbm>>
    %dma_wait3A_368 = tpu.memref_squeeze %dma_wait3A_367 : memref<1x512xf32, #tpu.memory_space<hbm>> -> memref<512xf32, #tpu.memory_space<hbm>>
    %dma_wait3A_369 = arith.constant 4096 : i32
    %dma_wait3A_370 = tpu.memref_slice %arg7[%dma_wait3A_369] : memref<5120xf32, #tpu.memory_space<vmem>> -> memref<512xf32, #tpu.memory_space<vmem>>
    tpu.wait_dma2 semaphore(%arg10 : memref<!tpu.dma_semaphore, #tpu.memory_space<semaphore_mem>>) src(%dma_wait3A_370 : memref<512xf32, #tpu.memory_space<vmem>>) dst(%dma_wait3A_368 : memref<512xf32, #tpu.memory_space<hbm>>)
    %dma_wait3A_371 = arith.constant 9 : i32
    %dma_wait3A_372 = arith.constant 4608 : i32
    %dma_wait3A_373 = tpu.memref_slice %arg7[%dma_wait3A_372] : memref<5120xf32, #tpu.memory_space<vmem>> -> memref<512xf32, #tpu.memory_space<vmem>>
    %dma_wait3A_374 = tpu.memref_slice %arg4[%dma_wait3A_371, %mul3A_2] : memref<10x16384xf32, #tpu.memory_space<hbm>> -> memref<1x512xf32, #tpu.memory_space<hbm>>
    %dma_wait3A_375 = tpu.memref_squeeze %dma_wait3A_374 : memref<1x512xf32, #tpu.memory_space<hbm>> -> memref<512xf32, #tpu.memory_space<hbm>>
    %dma_wait3A_376 = tpu.memref_slice %arg4[%dma_wait3A_371, %mul3A_2] : memref<10x16384xf32, #tpu.memory_space<hbm>> -> memref<1x512xf32, #tpu.memory_space<hbm>>
    %dma_wait3A_377 = tpu.memref_squeeze %dma_wait3A_376 : memref<1x512xf32, #tpu.memory_space<hbm>> -> memref<512xf32, #tpu.memory_space<hbm>>
    %dma_wait3A_378 = arith.constant 4608 : i32
    %dma_wait3A_379 = tpu.memref_slice %arg7[%dma_wait3A_378] : memref<5120xf32, #tpu.memory_space<vmem>> -> memref<512xf32, #tpu.memory_space<vmem>>
    tpu.wait_dma2 semaphore(%arg10 : memref<!tpu.dma_semaphore, #tpu.memory_space<semaphore_mem>>) src(%dma_wait3A_379 : memref<512xf32, #tpu.memory_space<vmem>>) dst(%dma_wait3A_377 : memref<512xf32, #tpu.memory_space<hbm>>)
    return
  }
}

</mosaic_0001>

<sc_bundles>
// kernel: kernel.3.cloned.1.call-start
scs
__scs_entry_jumppad:
0x0: {  	(pc) =	sbr.rel $0x88, $3  }
0x1: {  	(tag) =	ssettag $0x0;
	lr =	simm.s32 $0x1  }
0x2: {  	[smem:$0x3F9F] =	sst lr;
	_ =	strace $0xD0000000  }
0x3: {  	_ = 	snop  }
0x4: {  	_ = 	snop  }
0x5: {  	_ = 	snop  }
0x6: {  	_ = 	snop  }
0x7: {  	_ = 	snop  }
__scs_overlays_trampoline_lowered:
0x8: {  	[smem:$0x3FAE] =	sst s0  }
0x9: {  	[smem:$0x3FAF] =	sst s1  }
0xa: {  	[smem:$0x3FB0] =	sst s2  }
0xb: {  	[smem:$0x3FB1] =	sst s3  }
0xc: {  	[smem:$0x3FB2] =	sst s4  }
0xd: {  	[smem:$0x3FB3] =	sst s5  }
0xe: {  	[smem:$0x3FB4] =	sst s6  }
0xf: {  	[smem:$0x3FB5] =	sst s7  }
0x10: {  	[smem:$0x3FB6] =	sst s8  }
0x11: {  	[smem:$0x3FB7] =	sst s9;
	s0 =	simm.s32 @!p0 $0x0  }
0x12: {  	s1 =	sld [smem:$0x3F9D];
	s0 =	simm.s32 @p0 $0x1  }
0x13: {  	[smem:$0x3FB8] =	sst s0;
	s0 =	simm.s32 @!p1 $0x0  }
0x14: {  	s2 =	sld [smem:$0x3F9C];
	s0 =	simm.s32 @p1 $0x1  }
0x15: {  	[smem:$0x3FB9] =	sst s0;
	s0 =	simm.s32 @!p2 $0x0  }
0x16: {  	s3 =	sld [smem:$0x3FDB];
	s0 =	simm.s32 @p2 $0x1  }
0x17: {  	s4 =	simm.s32 $0x1BF5;
	[smem:$0x3FBB] =	sst s0  }
0x18: {  	s0 =	sld [smem:$0x3F9E];
	_ =	swait.ge [sflag:s4], $0x0  }
0x19: {  	s7 =	sld [smem:$0x3F9F]  }
0x1a: {  	s8 =	sadd.s32 $0xFFFFE003, lr  }
0x1b: {  	s9 =	sadd.s32 $0xFFFFFEF7, lr;
	s5 =	simm.s32 $0xFFFFFFFF;
	p2 =	slt.u32 s8, $0xFFFFF086  }
0x1c: {  	p1 =	slt.u32 s9, $0xF7A;
	s5 =	simm.s32 @!p2 $0x0  }
0x1d: {  	s5 =	simm.s32 @p1 $0x1;
	p0 =	seq.s32 s7, s2  }
0x1e: {  	s7 =	smul.u32 @!p0 $0xF7A, s2;
	p2 =	seq.s32 @!p0 s5, $0x0  }
0x1f: {  	s9 =	smul.u32 $0xF7A, s1;
	s8 =	simm.s32 @!p0 $0x1BF5;
	p2 =	por !p2, p0  }
0x20: {  	[sflag:s8] =	ssyncset.s32 @!p0 $0xFFFFF086;
	s6 =	sadd.s32 @!p0 s3, s7;
	s7 =	simm.s32 @!p0 $0x108  }
0x21: {  	s3 =	sadd.s32 s3, s9;
	s6 =	sadd.s32 @!p0 $0x88, s6;
	s7 =	simm.s32 @p2 $0x1082  }
0x22: {  	[simem:s7], [sflag:s8] =	dma.local @!p0 [hbm:s6], $0xF7A  }
0x23: {  	s9 =	sor.u32 $0xD0000000, s2;
	s6 =	simm.s32 $0x108;
	_ =	swait.ge @!p0 [sflag:s8], $0x0  }
0x24: {  	s3 =	sadd.s32 $0x88, s3;
	s6 =	simm.s32 @!p1 $0x1082;
	[sflag:s4] =	ssyncset.s32 $0xFFFFF086  }
0x25: {  	[simem:s6], [sflag:s4] =	dma.local [hbm:s3], $0xF7A  }
0x26: {  	[smem:$0x3F9F] =	sst s1;
	(tag) =	ssettag s2;
	_ =	strace s9  }
0x27: {  	s1 =	sld [smem:$0x3FAF]  }
0x28: {  	s2 =	sld [smem:$0x3FB0]  }
0x29: {  	s4 =	sld [smem:$0x3FB2]  }
0x2a: {  	p0 =	seq.s32 s5, $0x0;
	s5 =	sld [smem:$0x3FB3]  }
0x2b: {  	s6 =	sld [smem:$0x3FB4]  }
0x2c: {  	s7 =	sld [smem:$0x3FB5]  }
0x2d: {  	s3 =	simm.s32 $0x108;
	s8 =	sld [smem:$0x3FB6]  }
0x2e: {  	s3 =	simm.s32 @!p0 $0x1082;
	s9 =	sld [smem:$0x3FB7]  }
0x2f: {  	lr =	sadd.s32 s0, s3;
	s0 =	sld [smem:$0x3FAE]  }
0x30: {  	s3 =	sld [smem:$0x3FB1]  }
0x31: {  	[smem:$0x3FBA] =	sst s10  }
0x32: {  	s10 =	sld [smem:$0x3FB8];
	_ =	sdelay $0x3  }
0x33: {  	p0 =	seq.s32 s10, $0x1;
	s10 =	sld [smem:$0x3FBA];
	_ =	sdelay $0x3  }
0x34: {  	[smem:$0x3FBA] =	sst s10  }
0x35: {  	s10 =	sld [smem:$0x3FB9];
	_ =	sdelay $0x3  }
0x36: {  	p1 =	seq.s32 s10, $0x1;
	s10 =	sld [smem:$0x3FBA];
	_ =	sdelay $0x3  }
0x37: {  	[smem:$0x3FBA] =	sst s10  }
0x38: {  	s10 =	sld [smem:$0x3FBB]  }
0x39: {  	_ = 	snop;
	(pc) =	sbr.ind lr, $3  }
0x3a: {  	_ = 	snop  }
0x3b: {  	_ = 	snop  }
0x3c: {  	p2 =	seq.s32 s10, $0x1;
	s10 =	sld [smem:$0x3FBA]  }
0x3d: {  	_ =	shalt  }
0x3e: {  	_ =	shalt  }
0x3f: {  	_ =	shalt  }
0x40: {  	_ =	shalt  }
0x41: {  	_ =	shalt  }
0x42: {  	_ =	shalt  }
0x43: {  	_ =	shalt  }
0x44: {  	_ =	shalt  }
0x45: {  	_ =	shalt  }
0x46: {  	_ =	shalt  }
0x47: {  	_ =	shalt  }
0x48: {  	_ =	shalt  }
0x49: {  	_ =	shalt  }
0x4a: {  	_ =	shalt  }
0x4b: {  	_ =	shalt  }
0x4c: {  	_ =	shalt  }
0x4d: {  	_ =	shalt  }
0x4e: {  	_ =	shalt  }
0x4f: {  	_ =	shalt  }
0x50: {  	_ =	shalt  }
0x51: {  	_ =	shalt  }
0x52: {  	_ =	shalt  }
0x53: {  	_ =	shalt  }
0x54: {  	_ =	shalt  }
0x55: {  	_ =	shalt  }
0x56: {  	_ =	shalt  }
0x57: {  	_ =	shalt  }
0x58: {  	_ =	shalt  }
0x59: {  	_ =	shalt  }
0x5a: {  	_ =	shalt  }
0x5b: {  	_ =	shalt  }
0x5c: {  	_ =	shalt  }
0x5d: {  	_ =	shalt  }
0x5e: {  	_ =	shalt  }
0x5f: {  	_ =	shalt  }
0x60: {  	_ =	shalt  }
0x61: {  	_ =	shalt  }
0x62: {  	_ =	shalt  }
0x63: {  	_ =	shalt  }
0x64: {  	_ =	shalt  }
0x65: {  	_ =	shalt  }
0x66: {  	_ =	shalt  }
0x67: {  	_ =	shalt  }
0x68: {  	_ =	shalt  }
0x69: {  	_ =	shalt  }
0x6a: {  	_ =	shalt  }
0x6b: {  	_ =	shalt  }
0x6c: {  	_ =	shalt  }
0x6d: {  	_ =	shalt  }
0x6e: {  	_ =	shalt  }
0x6f: {  	_ =	shalt  }
0x70: {  	_ =	shalt  }
0x71: {  	_ =	shalt  }
0x72: {  	_ =	shalt  }
0x73: {  	_ =	shalt  }
0x74: {  	_ =	shalt  }
0x75: {  	_ =	shalt  }
0x76: {  	_ =	shalt  }
0x77: {  	_ =	shalt  }
0x78: {  	_ =	shalt  }
0x79: {  	_ =	shalt  }
0x7a: {  	_ =	shalt  }
0x7b: {  	_ =	shalt  }
0x7c: {  	_ =	shalt  }
0x7d: {  	_ =	shalt  }
0x7e: {  	_ =	shalt  }
0x7f: {  	_ =	shalt  }
0x80: {  	_ =	shalt  }
0x81: {  	_ =	shalt  }
0x82: {  	_ =	shalt  }
0x83: {  	_ =	shalt  }
0x84: {  	_ =	shalt  }
0x85: {  	_ =	shalt  }
0x86: {  	_ =	shalt  }
0x87: {  	_ =	shalt  }
.Lfunc_end0:
.L_simem_size_0:
called_computation_lowered:
.L_overlay_start_0:
0x88: {  	s2 =	sld [smem:$0x3FD9]  }
0x89: {  	s3 =	sld [smem:$0x3FFE];
	_ =	sdelay $0x1  }
0x8a: {  	s1 =	srdreg.scid  }
0x8b: {  	s0 =	sand.u32 $0x1, s1  }
0x8c: {  	s18 =	sshll.u32 s0, $0xA;
	s2 =	sadd.s32 s3, s2  }
0x8d: {  	s2 =	sadd.s32 s2, s18  }
0x8e: {  	[smem:$0x3FC6] =	sst s2  }
0x8f: {  	_ = 	snop  }
0x90: {  	s2 =	sld [smem:$0x3FC9]  }
0x91: {  	s19 =	sld [smem:$0x3FC8]  }
0x92: {  	s4 =	sld [smem:$0x3FD0];
	(tm) =	ssettm $0x1  }
0x93: {  	s5 =	sld [smem:$0x3FFB];
	_ =	sdelay $0x3  }
0x94: {  	_ =	strace s5  }
0x95: {  	s5 =	sld [smem:$0x3FFC];
	_ =	sdelay $0x3  }
0x96: {  	_ =	strace s5  }
0x97: {  	s5 =	sld [smem:$0x3FFD];
	_ =	sdelay $0x3  }
0x98: {  	_ =	strace s5  }
0x99: {  	_ =	strace $0x8FFFFFFF  }
0x9a: {  	s20 =	sld [smem:$0x3FDB];
	_ =	sdelay $0x1  }
0x9b: {  	s6 =	simm.s32 $_scs_section_size  }
0x9c: {  	s7 =	simm.s32 $_size__tile_overlayer_lowered;
	s8 =	simm.s32 $_tile_overlayer_lowered  }
0x9d: {  	s23 =	simm.s32 $0x1BFF;
	s22 =	sshll.u32 s8, $0x1;
	s5 =	sadd.s32 s6, s20  }
0x9e: {  	s9 =	simm.s32 $0x0;
	s21 =	sshll.u32 s7, $0x1;
	s7 =	sadd.s32 s22, s5  }
0x9f: {  	[timem:s9], [sflag:s23] =	dma.local [hbm:s7], s21  }
0xa0: {  	_ =	swait.ge [sflag:s23], s21  }
0xa1: {  	s6 =	ssub.s32 $0x0, s21;
	[sflag:s23] =	ssyncset.done $0x0  }
0xa2: {  	[sflag:s23] =	ssyncadd.s32 s6;
	_ =	sdelay $0x1  }
0xa3: {  	s24 =	simm.s32 $0x1B8B  }
0xa4: {  	_ =	swait.ge [sflag:s24], $0x1  }
0xa5: {  	[sflag:s24] =	ssyncset.done $0x0  }
0xa6: {  	s25 =	simm.s32 $0x1B8E;
	[sflag:s24] =	ssyncadd.s32 $0xFFFFFFFF  }
0xa7: {  	s26 =	simm.s32 $execute0_lowered;
	[smem:$0x3FD2] =	sst s25  }
0xa8: {  	s6 =	sshll.u32 s26, $0x1;
	_ =	strace $0x80000046;
	[dreg:$0x1] =	wrdreg $0xFFFFFFFF  }
0xa9: {  	s28 =	simm.s32 $_size_execute0_lowered;
	s5 =	sadd.s32 s5, s6;
	[dreg:$0x0] =	wrdreg $0x0  }
0xaa: {  	s6 =	sshll.u32 s28, $0x1;
	[dreg:$0x2] =	wrdreg s5  }
0xab: {  	[dreg:$0x3] =	wrdreg s6  }
0xac: {  	[dreg:$0x4] =	wrdreg $0xC0  }
0xad: {  	_ =	task [dreg:s9], $0x5FFFF  }
0xae: {  	[dreg:$0x1] =	wrdreg $0xFFFFFFFF  }
0xaf: {  	[dreg:$0x0] =	wrdreg $0x60  }
0xb0: {  	[dreg:$0x2] =	wrdreg s2  }
0xb1: {  	[dreg:$0x3] =	wrdreg s19  }
0xb2: {  	[dreg:$0x4] =	wrdreg s4  }
0xb3: {  	[dreg:$0x5] =	wrdreg $0x9  }
0xb4: {  	_ =	task.clear_ibuf [dreg:s9], $0x6FFFF;
	_ =	strace $0x90000046  }
0xb5: {  	s29 =	simm.s32 $0x9;
	_ =	strace $0x80000048  }
0xb6: {  	_ =	swait.ge [sflag:s29], $0x1  }
0xb7: {  	[sflag:s29] =	ssyncadd.s32 $0xFFFFFFFF  }
0xb8: {  	_ =	strace $0x90000048  }
0xb9: {  	_ =	sfence  }
0xba: {  	s30 =	sld [smem:$0x0];
	_ =	sdelay $0x2  }
0xbb: {  	s31 =	sshll.u32 s1, $0xD;
	s1 =	sshrl.u32 s1, $0x2  }
0xbc: {  	s3 =	sand.u32 $0x4000, s31;
	s1 =	sadd.s32 s1, s30  }
0xbd: {  	s0 =	sor.u32 s3, s0;
	s1 =	sshll.u32 s1, $0x11  }
0xbe: {  	s0 =	sor.u32 s1, s0  }
0xbf: {  	s0 =	sadd.s32 $0x8F2B, s0  }
0xc0: {  	[sflag:s0] =	ssyncadd.remote.s32 $0x1  }
0xc1: {  	_ =	sfence.sel $0xFFFF  }
0xc2: {  	[dreg:$0x0] =	wrdreg $0xFFFFFFFF;
	(pc) =	sbr.abs _section_cstart, $3  }
0xc3: {  	[dreg:$0x1] =	wrdreg $0xFFFFFFFF  }
0xc4: {  	_ =	task.clear_ibuf [dreg:s9], $0x2FFFF;
	_ =	strace $0x9FFFFFFF  }
0xc5: {  	(tm) =	ssettm $0x7FFFFFFF  }
tec
execute0_lowered:
.L_overlay_start_1:
0x0: {  	(tag) =	ssettag $0x1  }
0x1: {  	s0 =	rddreg [dreg:$0x0]  }
0x2: {  	s2 =	rddreg [dreg:$0x1];
	s1 =	srdreg.scid  }
0x3: {  	s3 =	rddreg [dreg:$0x2];
	s4 =	stileid.u32  }
0x4: {  	s6 =	simm.s32 $0x0;
	s30 =	simm.s32 $0x80;
	s31 =	simm.s32 $0xB  }
0x5: {  	s28 =	simm.s32 $0xC;
	s29 =	simm.s32 $0x0;
	s1 =	sand.u32 $0x1, s1  }
0x6: {  	s4 =	sshll.u32 s4, $0xA;
	s5 =	sshll.u32 s1, $0x9;
	s1 =	ssub.s32 $0x2, s1  }
0x7: {  	[smem:$0x7FF] =	sst s6;
	s5 =	sor.u32 s5, s4;
	s7 =	sshrl.u32 s1, $0x1  }
0x8: {  	_ =	strace $0x80000047;
	s4 =	sadd.s32 s0, s5;
	s8 =	ssub.s32 s1, s7  }
0x9: {  	s14 =	sadd.s32 s3, s5;
	s0 =	simm.s32 $0x400;
	s23 =	sadd.s32 $0x8000, s4  }
0xa: {  	s24 =	sadd.s32 $0x10000, s4;
	s25 =	sadd.s32 $0x18000, s4;
	s26 =	sadd.s32 $0x20000, s4  }
0xb: {  	s9 =	sadd.s32 $0x28000, s4;
	s10 =	sadd.s32 $0x30000, s4;
	s11 =	sadd.s32 $0x38000, s4  }
0xc: {  	s12 =	sadd.s32 $0x40000, s4;
	s13 =	sadd.s32 $0x48000, s4;
	s15 =	sadd.s32 $0x10, s14  }
0xd: {  	s16 =	sadd.s32 $0x20, s14;
	s17 =	sadd.s32 $0x30, s14;
	[dreg:$0x4] =	wrdreg s23  }
0xe: {  	s18 =	sadd.s32 $0x40, s14;
	s19 =	sadd.s32 $0x50, s14;
	[dreg:$0x5] =	wrdreg s24  }
0xf: {  	s20 =	sadd.s32 $0x60, s14;
	s21 =	sadd.s32 $0x70, s14;
	[dreg:$0x6] =	wrdreg s25  }
0x10: {  	s22 =	sadd.s32 $0x4000, s14;
	[dreg:$0x7] =	wrdreg s26;
	s23 =	sadd.s32 $0x4010, s14  }
0x11: {  	s24 =	smax.u32 s8, $0x1;
	s25 =	simm.s32 $0x1000;
	s26 =	simm.s32 $0x20000  }
.LBB2_1:
0x12: {  	s1 =	simm.s32 $0x0  }
0x13: {  	[tilespmem:s1], [sflag:$0x1] =	stream.strided.gather [hbm4b:s4+s25], $0x2000, s26, s25, $0x38;
	[tilespmem:$0x16800] =	vst v63  }
0x14: {  	s6 =	rddreg [dreg:$0x4];
	s3 =	simm.s32 $0x2000  }
0x15: {  	[tilespmem:s3], [sflag:$0x2] =	stream.strided.gather [hbm4b:s6+s25], $0x2000, s26, s25, $0x38;
	[tilespmem:$0x16800] =	vst v63  }
0x16: {  	s7 =	rddreg [dreg:$0x5];
	s8 =	simm.s32 $0x4000  }
0x17: {  	[tilespmem:s8], [sflag:$0x3] =	stream.strided.gather [hbm4b:s7+s25], $0x2000, s26, s25, $0x38;
	[tilespmem:$0x16800] =	vst v63  }
0x18: {  	s5 =	rddreg [dreg:$0x6];
	s6 =	simm.s32 $0x6000  }
0x19: {  	[tilespmem:s6], [sflag:$0x4] =	stream.strided.gather [hbm4b:s5+s25], $0x2000, s26, s25, $0x38;
	[tilespmem:$0x16800] =	vst v63  }
0x1a: {  	s7 =	rddreg [dreg:$0x7];
	s8 =	simm.s32 $0x8000  }
0x1b: {  	[tilespmem:s8], [sflag:$0x5] =	stream.strided.gather [hbm4b:s7+s25], $0x2000, s26, s25, $0x38;
	[tilespmem:$0x16800] =	vst v63  }
0x1c: {  	s3 =	simm.s32 $0xA000  }
0x1d: {  	[tilespmem:s3], [sflag:$0x6] =	stream.strided.gather [hbm4b:s9+s25], $0x2000, s26, s25, $0x38;
	[tilespmem:$0x16800] =	vst v63  }
0x1e: {  	s5 =	simm.s32 $0xC000  }
0x1f: {  	[tilespmem:s5], [sflag:$0x7] =	stream.strided.gather [hbm4b:s10+s25], $0x2000, s26, s25, $0x38;
	[tilespmem:$0x16800] =	vst v63  }
0x20: {  	s6 =	simm.s32 $0xE000  }
0x21: {  	[tilespmem:s6], [sflag:$0x8] =	stream.strided.gather [hbm4b:s11+s25], $0x2000, s26, s25, $0x38;
	[tilespmem:$0x16800] =	vst v63  }
0x22: {  	s7 =	simm.s32 $0x10000  }
0x23: {  	[tilespmem:s7], [sflag:$0x9] =	stream.strided.gather [hbm4b:s12+s25], $0x2000, s26, s25, $0x38;
	[tilespmem:$0x16800] =	vst v63  }
0x24: {  	s1 =	simm.s32 $0x0;
	s8 =	simm.s32 $0x12000  }
0x25: {  	[tilespmem:s8], [sflag:$0xA] =	stream.strided.gather [hbm4b:s13+s25], $0x2000, s26, s25, $0x38;
	[tilespmem:$0x16800] =	vst v63  }
.LBB2_2:
0x26: {  	s5 =	sand.u32 $0x3, s1  }
0x27: {  	s6 =	sshrl.u32 s1, $0x2;
	p0 =	sne.s32 s5, $0x0  }
0x28: {  	s3 =	sadd.s32 @!p0 $0x1, s6  }
0x29: {  	s7 =	sshll.u32 s6, $0xF;
	_ =	swait.ge @!p0 [sflag:s3], $0x2000  }
0x2a: {  	s8 =	sshll.u32 s5, $0xA;
	s7 =	sshra.s32 s7, $0x2;
	[sflag:s3] =	ssyncset.done @!p0 $0x0  }
0x2b: {  	s7 =	sor.u32 s8, s7;
	[sflag:s3] =	ssyncadd.s32 @!p0 $0xFFFFE000  }
0x2c: {  	v0 =	vld [tilespmem:s7+$0x0]  }
0x2d: {  	v1 =	vld [tilespmem:s7+$0x80]  }
0x2e: {  	v2 =	vld [tilespmem:s7+$0x100]  }
0x2f: {  	v3 =	vld [tilespmem:s7+$0x180]  }
0x30: {  	v4 =	vld [tilespmem:s7+$0x200]  }
0x31: {  	v5 =	vld [tilespmem:s7+$0x380]  }
0x32: {  	v6 =	vld [tilespmem:s7+$0x280]  }
0x33: {  	v7 =	vld [tilespmem:s7+$0x300]  }
0x34: {  	v8 =	vld [tilespmem:s7+$0x1000]  }
0x35: {  	v1 =	vshll.u32 v1, $0x2  }
0x36: {  	v9 =	vld [tilespmem:s7+$0x1080];
	v3 =	vshll.u32 v3, $0x6;
	v2 =	vshll.u32 v2, $0x4;
	v5 =	vshll.u32 v5, $0xE  }
0x37: {  	v6 =	vshll.u32 v6, $0xA;
	v4 =	vshll.u32 v4, $0x8;
	v0 =	vadd.s32 v0, v1  }
0x38: {  	v29 =	vshll.u32 v7, $0xC;
	v4 =	vadd.s32 v4, v6;
	v0 =	vadd.s32 v2, v0  }
0x39: {  	v30 =	vshll.u32 v8, $0x10;
	v1 =	vadd.s32 v4, v29;
	v0 =	vadd.s32 v3, v0  }
0x3a: {  	v1 =	vadd.s32 v1, v5;
	v0 =	vadd.s32 v30, v0  }
0x3b: {  	s5 =	sshll.u32 s5, $0x7;
	s6 =	sshll.u32 s6, $0x9;
	v31 =	vshll.u32 v9, $0x12;
	v0 =	vadd.s32 v1, v0  }
0x3c: {  	s5 =	sor.u32 s5, s6;
	v0 =	vadd.s32 v31, v0  }
0x3d: {  	[tilespmem:s5+$0x14000] =	vst v0  }
0x3e: {  	v0 =	vld [tilespmem:s7+$0x10]  }
0x3f: {  	v32 =	vld [tilespmem:s7+$0x90]  }
0x40: {  	v33 =	vld [tilespmem:s7+$0x110]  }
0x41: {  	v34 =	vld [tilespmem:s7+$0x190]  }
0x42: {  	v35 =	vld [tilespmem:s7+$0x210]  }
0x43: {  	v36 =	vld [tilespmem:s7+$0x390]  }
0x44: {  	v37 =	vld [tilespmem:s7+$0x290]  }
0x45: {  	v38 =	vld [tilespmem:s7+$0x310]  }
0x46: {  	v39 =	vld [tilespmem:s7+$0x1010]  }
0x47: {  	v1 =	vshll.u32 v32, $0x2  }
0x48: {  	v40 =	vld [tilespmem:s7+$0x1090];
	v3 =	vshll.u32 v34, $0x6;
	v2 =	vshll.u32 v33, $0x4;
	v5 =	vshll.u32 v36, $0xE  }
0x49: {  	v6 =	vshll.u32 v37, $0xA;
	v4 =	vshll.u32 v35, $0x8;
	v0 =	vadd.s32 v0, v1  }
0x4a: {  	v41 =	vshll.u32 v38, $0xC;
	v4 =	vadd.s32 v4, v6;
	v0 =	vadd.s32 v2, v0  }
0x4b: {  	v42 =	vshll.u32 v39, $0x10;
	v1 =	vadd.s32 v4, v41;
	v0 =	vadd.s32 v3, v0  }
0x4c: {  	v1 =	vadd.s32 v1, v5;
	v0 =	vadd.s32 v42, v0  }
0x4d: {  	v43 =	vshll.u32 v40, $0x12;
	v0 =	vadd.s32 v1, v0  }
0x4e: {  	v0 =	vadd.s32 v43, v0  }
0x4f: {  	[tilespmem:s5+$0x14010] =	vst v0  }
0x50: {  	v0 =	vld [tilespmem:s7+$0x20]  }
0x51: {  	v44 =	vld [tilespmem:s7+$0xA0]  }
0x52: {  	v45 =	vld [tilespmem:s7+$0x120]  }
0x53: {  	v46 =	vld [tilespmem:s7+$0x1A0]  }
0x54: {  	v47 =	vld [tilespmem:s7+$0x220]  }
0x55: {  	v48 =	vld [tilespmem:s7+$0x3A0]  }
0x56: {  	v49 =	vld [tilespmem:s7+$0x2A0]  }
0x57: {  	v50 =	vld [tilespmem:s7+$0x320]  }
0x58: {  	v51 =	vld [tilespmem:s7+$0x1020]  }
0x59: {  	v1 =	vshll.u32 v44, $0x2  }
0x5a: {  	v52 =	vld [tilespmem:s7+$0x10A0];
	v3 =	vshll.u32 v46, $0x6;
	v2 =	vshll.u32 v45, $0x4;
	v5 =	vshll.u32 v48, $0xE  }
0x5b: {  	v6 =	vshll.u32 v49, $0xA;
	v4 =	vshll.u32 v47, $0x8;
	v0 =	vadd.s32 v0, v1  }
0x5c: {  	v53 =	vshll.u32 v50, $0xC;
	v4 =	vadd.s32 v4, v6;
	v0 =	vadd.s32 v2, v0  }
0x5d: {  	v54 =	vshll.u32 v51, $0x10;
	v1 =	vadd.s32 v4, v53;
	v0 =	vadd.s32 v3, v0  }
0x5e: {  	v1 =	vadd.s32 v1, v5;
	v0 =	vadd.s32 v54, v0  }
0x5f: {  	v55 =	vshll.u32 v52, $0x12;
	v0 =	vadd.s32 v1, v0  }
0x60: {  	v0 =	vadd.s32 v55, v0  }
0x61: {  	[tilespmem:s5+$0x14020] =	vst v0  }
0x62: {  	v0 =	vld [tilespmem:s7+$0x30]  }
0x63: {  	v56 =	vld [tilespmem:s7+$0xB0]  }
0x64: {  	v57 =	vld [tilespmem:s7+$0x130]  }
0x65: {  	v58 =	vld [tilespmem:s7+$0x1B0]  }
0x66: {  	v59 =	vld [tilespmem:s7+$0x230]  }
0x67: {  	v60 =	vld [tilespmem:s7+$0x3B0]  }
0x68: {  	v61 =	vld [tilespmem:s7+$0x2B0]  }
0x69: {  	v62 =	vld [tilespmem:s7+$0x330]  }
0x6a: {  	v63 =	vld [tilespmem:s7+$0x1030]  }
0x6b: {  	v1 =	vshll.u32 v56, $0x2  }
0x6c: {  	v12 =	vld [tilespmem:s7+$0x10B0];
	v3 =	vshll.u32 v58, $0x6;
	v2 =	vshll.u32 v57, $0x4;
	v5 =	vshll.u32 v60, $0xE  }
0x6d: {  	v6 =	vshll.u32 v61, $0xA;
	v4 =	vshll.u32 v59, $0x8;
	v0 =	vadd.s32 v0, v1  }
0x6e: {  	v13 =	vshll.u32 v62, $0xC;
	v4 =	vadd.s32 v4, v6;
	v0 =	vadd.s32 v2, v0  }
0x6f: {  	v14 =	vshll.u32 v63, $0x10;
	v1 =	vadd.s32 v4, v13;
	v0 =	vadd.s32 v3, v0  }
0x70: {  	v1 =	vadd.s32 v1, v5;
	v0 =	vadd.s32 v14, v0  }
0x71: {  	v15 =	vshll.u32 v12, $0x12;
	v0 =	vadd.s32 v1, v0  }
0x72: {  	v0 =	vadd.s32 v15, v0  }
0x73: {  	[tilespmem:s5+$0x14030] =	vst v0  }
0x74: {  	v0 =	vld [tilespmem:s7+$0x40]  }
0x75: {  	v16 =	vld [tilespmem:s7+$0xC0]  }
0x76: {  	v17 =	vld [tilespmem:s7+$0x140]  }
0x77: {  	v18 =	vld [tilespmem:s7+$0x1C0]  }
0x78: {  	v19 =	vld [tilespmem:s7+$0x240]  }
0x79: {  	v20 =	vld [tilespmem:s7+$0x3C0]  }
0x7a: {  	v21 =	vld [tilespmem:s7+$0x2C0]  }
0x7b: {  	v22 =	vld [tilespmem:s7+$0x340]  }
0x7c: {  	v23 =	vld [tilespmem:s7+$0x1040]  }
0x7d: {  	v1 =	vshll.u32 v16, $0x2  }
0x7e: {  	v24 =	vld [tilespmem:s7+$0x10C0];
	v3 =	vshll.u32 v18, $0x6;
	v2 =	vshll.u32 v17, $0x4;
	v5 =	vshll.u32 v20, $0xE  }
0x7f: {  	v6 =	vshll.u32 v21, $0xA;
	v4 =	vshll.u32 v19, $0x8;
	v0 =	vadd.s32 v0, v1  }
0x80: {  	v25 =	vshll.u32 v22, $0xC;
	v4 =	vadd.s32 v4, v6;
	v0 =	vadd.s32 v2, v0  }
0x81: {  	v26 =	vshll.u32 v23, $0x10;
	v1 =	vadd.s32 v4, v25;
	v0 =	vadd.s32 v3, v0  }
0x82: {  	v1 =	vadd.s32 v1, v5;
	v0 =	vadd.s32 v26, v0  }
0x83: {  	v27 =	vshll.u32 v24, $0x12;
	v0 =	vadd.s32 v1, v0  }
0x84: {  	v0 =	vadd.s32 v27, v0  }
0x85: {  	[tilespmem:s5+$0x14040] =	vst v0  }
0x86: {  	v0 =	vld [tilespmem:s7+$0x50]  }
0x87: {  	v28 =	vld [tilespmem:s7+$0xD0]  }
0x88: {  	v29 =	vld [tilespmem:s7+$0x150]  }
0x89: {  	v30 =	vld [tilespmem:s7+$0x1D0]  }
0x8a: {  	v31 =	vld [tilespmem:s7+$0x250]  }
0x8b: {  	v32 =	vld [tilespmem:s7+$0x3D0]  }
0x8c: {  	v33 =	vld [tilespmem:s7+$0x2D0]  }
0x8d: {  	v34 =	vld [tilespmem:s7+$0x350]  }
0x8e: {  	v35 =	vld [tilespmem:s7+$0x1050]  }
0x8f: {  	v1 =	vshll.u32 v28, $0x2  }
0x90: {  	v36 =	vld [tilespmem:s7+$0x10D0];
	v3 =	vshll.u32 v30, $0x6;
	v2 =	vshll.u32 v29, $0x4;
	v5 =	vshll.u32 v32, $0xE  }
0x91: {  	v6 =	vshll.u32 v33, $0xA;
	v4 =	vshll.u32 v31, $0x8;
	v0 =	vadd.s32 v0, v1  }
0x92: {  	v37 =	vshll.u32 v34, $0xC;
	v4 =	vadd.s32 v4, v6;
	v0 =	vadd.s32 v2, v0  }
0x93: {  	v38 =	vshll.u32 v35, $0x10;
	v1 =	vadd.s32 v4, v37;
	v0 =	vadd.s32 v3, v0  }
0x94: {  	v1 =	vadd.s32 v1, v5;
	v0 =	vadd.s32 v38, v0  }
0x95: {  	v39 =	vshll.u32 v36, $0x12;
	v0 =	vadd.s32 v1, v0  }
0x96: {  	v0 =	vadd.s32 v39, v0  }
0x97: {  	[tilespmem:s5+$0x14050] =	vst v0  }
0x98: {  	v0 =	vld [tilespmem:s7+$0x60]  }
0x99: {  	v40 =	vld [tilespmem:s7+$0xE0]  }
0x9a: {  	v41 =	vld [tilespmem:s7+$0x160]  }
0x9b: {  	v42 =	vld [tilespmem:s7+$0x1E0]  }
0x9c: {  	v43 =	vld [tilespmem:s7+$0x260]  }
0x9d: {  	v44 =	vld [tilespmem:s7+$0x3E0]  }
0x9e: {  	v45 =	vld [tilespmem:s7+$0x2E0]  }
0x9f: {  	v46 =	vld [tilespmem:s7+$0x360]  }
0xa0: {  	v47 =	vld [tilespmem:s7+$0x1060]  }
0xa1: {  	v1 =	vshll.u32 v40, $0x2  }
0xa2: {  	v48 =	vld [tilespmem:s7+$0x10E0];
	v3 =	vshll.u32 v42, $0x6;
	v2 =	vshll.u32 v41, $0x4;
	v5 =	vshll.u32 v44, $0xE  }
0xa3: {  	v6 =	vshll.u32 v45, $0xA;
	v4 =	vshll.u32 v43, $0x8;
	v0 =	vadd.s32 v0, v1  }
0xa4: {  	v49 =	vshll.u32 v46, $0xC;
	v4 =	vadd.s32 v4, v6;
	v0 =	vadd.s32 v2, v0  }
0xa5: {  	v50 =	vshll.u32 v47, $0x10;
	v1 =	vadd.s32 v4, v49;
	v0 =	vadd.s32 v3, v0  }
0xa6: {  	v1 =	vadd.s32 v1, v5;
	v0 =	vadd.s32 v50, v0  }
0xa7: {  	v51 =	vshll.u32 v48, $0x12;
	v0 =	vadd.s32 v1, v0  }
0xa8: {  	v0 =	vadd.s32 v51, v0  }
0xa9: {  	[tilespmem:s5+$0x14060] =	vst v0  }
0xaa: {  	v0 =	vld [tilespmem:s7+$0x70]  }
0xab: {  	v52 =	vld [tilespmem:s7+$0xF0]  }
0xac: {  	v53 =	vld [tilespmem:s7+$0x170]  }
0xad: {  	v54 =	vld [tilespmem:s7+$0x1F0]  }
0xae: {  	v55 =	vld [tilespmem:s7+$0x270]  }
0xaf: {  	v56 =	vld [tilespmem:s7+$0x3F0]  }
0xb0: {  	v57 =	vld [tilespmem:s7+$0x2F0]  }
0xb1: {  	v58 =	vld [tilespmem:s7+$0x370]  }
0xb2: {  	v59 =	vld [tilespmem:s7+$0x1070]  }
0xb3: {  	v1 =	vshll.u32 v52, $0x2  }
0xb4: {  	v60 =	vld [tilespmem:s7+$0x10F0];
	v3 =	vshll.u32 v54, $0x6;
	v2 =	vshll.u32 v53, $0x4;
	v5 =	vshll.u32 v56, $0xE  }
0xb5: {  	v6 =	vshll.u32 v57, $0xA;
	v4 =	vshll.u32 v55, $0x8;
	v0 =	vadd.s32 v0, v1  }
0xb6: {  	s1 =	sadd.s32 $0x1, s1;
	v61 =	vshll.u32 v58, $0xC;
	v4 =	vadd.s32 v4, v6;
	v0 =	vadd.s32 v2, v0  }
0xb7: {  	p0 =	sne.s32 s1, $0x28;
	v62 =	vshll.u32 v59, $0x10;
	v1 =	vadd.s32 v4, v61;
	v0 =	vadd.s32 v3, v0  }
.Ltmp0:
0xb8: {  	v1 =	vadd.s32 v1, v5;
	v0 =	vadd.s32 v62, v0;
	(pc) =	sbr.rel @p0 .LBB2_2-.Ltmp0, $4  }
0xb9: {  	v63 =	vshll.u32 v60, $0x12;
	v0 =	vadd.s32 v1, v0  }
0xba: {  	v0 =	vadd.s32 v63, v0  }
0xbb: {  	s8 =	sadd.s32 $0x14000, s5;
	[tilespmem:s5+$0x14070] =	vst v0;
	s5 =	sadd.s32 $0x15400, s5  }
0xbc: {  	[tilespmem:s5], [sflag:$0xB] =	stream.indirect.gather [hbm4b:s2+s30], $0x1, s8, s30, $0xb8;
	[tilespmem:$0x16800] =	vst v63  }
0xbd: {  	_ =	swait.ge [sflag:s31], $0x1400  }
0xbe: {  	[sflag:s31] =	ssyncset.done $0x0  }
0xbf: {  	s1 =	simm.s32 $0x15400;
	[sflag:s31] =	ssyncadd.s32 $0xFFFFEC00  }
0xc0: {  	[hbm4b:s14+s30] =	stream.strided.scatter [tilespmem:s1], [sflag:$0xC], $0x200, s0, s30, $0x38;
	[tilespmem:$0x16800] =	vst v63  }
0xc1: {  	s5 =	simm.s32 $0x15600  }
0xc2: {  	[hbm4b:s15+s30] =	stream.strided.scatter [tilespmem:s5], [sflag:$0xC], $0x200, s0, s30, $0x38;
	[tilespmem:$0x16800] =	vst v63  }
0xc3: {  	s6 =	simm.s32 $0x15800  }
0xc4: {  	[hbm4b:s16+s30] =	stream.strided.scatter [tilespmem:s6], [sflag:$0xC], $0x200, s0, s30, $0x38;
	[tilespmem:$0x16800] =	vst v63  }
0xc5: {  	s7 =	simm.s32 $0x15A00  }
0xc6: {  	[hbm4b:s17+s30] =	stream.strided.scatter [tilespmem:s7], [sflag:$0xC], $0x200, s0, s30, $0x38;
	[tilespmem:$0x16800] =	vst v63  }
0xc7: {  	s8 =	simm.s32 $0x15C00  }
0xc8: {  	[hbm4b:s18+s30] =	stream.strided.scatter [tilespmem:s8], [sflag:$0xC], $0x200, s0, s30, $0x38;
	[tilespmem:$0x16800] =	vst v63  }
0xc9: {  	s3 =	simm.s32 $0x15E00  }
0xca: {  	[hbm4b:s19+s30] =	stream.strided.scatter [tilespmem:s3], [sflag:$0xC], $0x200, s0, s30, $0x38;
	[tilespmem:$0x16800] =	vst v63  }
0xcb: {  	s5 =	simm.s32 $0x16000  }
0xcc: {  	[hbm4b:s20+s30] =	stream.strided.scatter [tilespmem:s5], [sflag:$0xC], $0x200, s0, s30, $0x38;
	[tilespmem:$0x16800] =	vst v63  }
0xcd: {  	s6 =	simm.s32 $0x16200  }
0xce: {  	[hbm4b:s21+s30] =	stream.strided.scatter [tilespmem:s6], [sflag:$0xC], $0x200, s0, s30, $0x38;
	[tilespmem:$0x16800] =	vst v63  }
0xcf: {  	s7 =	simm.s32 $0x16400  }
0xd0: {  	[hbm4b:s22+s30] =	stream.strided.scatter [tilespmem:s7], [sflag:$0xC], $0x200, s0, s30, $0x38;
	[tilespmem:$0x16800] =	vst v63  }
0xd1: {  	s8 =	simm.s32 $0x16600  }
0xd2: {  	[hbm4b:s23+s30] =	stream.strided.scatter [tilespmem:s8], [sflag:$0xC], $0x200, s0, s30, $0x38;
	[tilespmem:$0x16800] =	vst v63  }
0xd3: {  	_ =	swait.ge [sflag:s28], $0x200  }
0xd4: {  	[sflag:s28] =	ssyncset.done $0x0  }
0xd5: {  	[sflag:s28] =	ssyncadd.s32 $0xFFFFFE00  }
0xd6: {  	_ =	swait.ge [sflag:s28], $0x200  }
0xd7: {  	[sflag:s28] =	ssyncset.done $0x0  }
0xd8: {  	[sflag:s28] =	ssyncadd.s32 $0xFFFFFE00  }
0xd9: {  	_ =	swait.ge [sflag:s28], $0x200  }
0xda: {  	[sflag:s28] =	ssyncset.done $0x0  }
0xdb: {  	[sflag:s28] =	ssyncadd.s32 $0xFFFFFE00  }
0xdc: {  	_ =	swait.ge [sflag:s28], $0x200  }
0xdd: {  	[sflag:s28] =	ssyncset.done $0x0  }
0xde: {  	[sflag:s28] =	ssyncadd.s32 $0xFFFFFE00  }
0xdf: {  	_ =	swait.ge [sflag:s28], $0x200  }
0xe0: {  	[sflag:s28] =	ssyncset.done $0x0  }
0xe1: {  	[sflag:s28] =	ssyncadd.s32 $0xFFFFFE00  }
0xe2: {  	_ =	swait.ge [sflag:s28], $0x200  }
0xe3: {  	[sflag:s28] =	ssyncset.done $0x0  }
0xe4: {  	[sflag:s28] =	ssyncadd.s32 $0xFFFFFE00  }
0xe5: {  	_ =	swait.ge [sflag:s28], $0x200  }
0xe6: {  	[sflag:s28] =	ssyncset.done $0x0  }
0xe7: {  	[sflag:s28] =	ssyncadd.s32 $0xFFFFFE00  }
0xe8: {  	_ =	swait.ge [sflag:s28], $0x200  }
0xe9: {  	[sflag:s28] =	ssyncset.done $0x0  }
0xea: {  	s29 =	sadd.s32 $0x1, s29;
	[sflag:s28] =	ssyncadd.s32 $0xFFFFFE00  }
0xeb: {  	p0 =	sne.s32 s29, s24;
	_ =	swait.ge [sflag:s28], $0x200  }
.Ltmp1:
0xec: {  	[sflag:s28] =	ssyncset.done $0x0;
	(pc) =	sbr.rel @p0 .LBB2_1-.Ltmp1, $4  }
0xed: {  	[sflag:s28] =	ssyncadd.s32 $0xFFFFFE00  }
0xee: {  	_ =	swait.ge [sflag:s28], $0x200  }
0xef: {  	[sflag:s28] =	ssyncset.done $0x0  }
0xf0: {  	[sflag:s28] =	ssyncadd.s32 $0xFFFFFE00  }
0xf1: {  	_ =	sfence.sel $0x180000  }
0xf2: {  	[bflag:$0x0] =	sbarrier.arrive $0xFFFF  }
0xf3: {  	_ =	strace $0x90000047  }
0xf4: {  	s0 =	stileid.u32;
	[bflag:$0x2] =	sbarrier.arrive $0xFFFF  }
0xf5: {  	p0 =	sne.s32 s0, $0x0;
	s0 =	rddreg [dreg:$0x3]  }
0xf6: {  	s0 =	sadd.s32 @!p0 $0x100000, s0  }
0xf7: {  	[sflag:s0] =	ssyncadd.tile.s32 @!p0 $0x1;
	_ =	shalt  }
.Lfunc_end2:
_tile_overlayer_lowered:
.L_overlay_start_2:
0xf8: {  	(tag) =	ssettag $0x2  }
0xf9: {  	s0 =	rddreg [dreg:$0x0];
	s2 =	stileid.u32  }
0xfa: {  	s1 =	rddreg [dreg:$0x1];
	p0 =	sne.s32 s2, $0x0  }
0xfb: {  	s3 =	rddreg [dreg:$0x2];
	[bflag:$0x3] =	sbarrier.arrive $0xFFFF;
	s2 =	simm.s32 @!p0 $0x1C0D  }
0xfc: {  	[timem:s3], [sflag:s2] =	dma.local @!p0 [hbm:s0], s1  }
0xfd: {  	s0 =	simm.s32 @!p0 $0xD  }
0xfe: {  	_ =	swait.ge @!p0 [sflag:s0], s1  }
0xff: {  	s1 =	ssub.s32 @!p0 $0x0, s1;
	[sflag:s0] =	ssyncset.done @!p0 $0x0  }
0x100: {  	[sflag:s0] =	ssyncadd.s32 @!p0 s1  }
0x101: {  	[bflag:$0x3] =	sbarrier.arrive $0xFFFF  }
0x102: {  	_ =	shalt  }

</sc_bundles>
